<compile_context>
chip_gen: v7x
topology: tpu7x:2x2x1
jax: 0.10.2.dev20260603
libtpu: 0.0.44.dev20260713+nightly
codegen_flags: <defaults>
</compile_context>

<pallas_src>
import jax
import jax.numpy as jnp
from jax import lax
from jax.experimental import pallas as pl
from jax.experimental.pallas import tpu as pltpu
from jax.experimental.pallas import tpu_sc as plsc

DIM = 64
B_TOTAL = 16384
NC = 2
NS = 16
NW = NC * NS
BPW = B_TOTAL // NW
NCHUNK = 4
CHUNK = BPW // NCHUNK
PK = 2 * DIM
REG = 0.0001

RP_LANES = 2048
RP_ROWS = RP_LANES // 2

TC_BLOCK = 2048
TC_GRID = B_TOTAL // TC_BLOCK


def _repack_body(xt_ref, out_ref):
    x = xt_ref[...]
    eye = jnp.eye(DIM, dtype=jnp.float32)
    dn = (((0,), (0,)), ((), ()))
    a = jax.lax.dot_general(x[:, :RP_ROWS], eye, dn,
                            preferred_element_type=jnp.float32)
    b = jax.lax.dot_general(x[:, RP_ROWS:], eye, dn,
                            preferred_element_type=jnp.float32)
    out_ref[...] = jnp.concatenate([a, b], axis=1)


def _repack(tabT, nrows):
    grid = (nrows + RP_LANES - 1) // RP_LANES
    return pl.pallas_call(
        _repack_body,
        grid=(grid,),
        in_specs=[pl.BlockSpec((DIM, RP_LANES), lambda i: (0, i))],
        out_specs=pl.BlockSpec((RP_ROWS, PK), lambda i: (i, 0)),
        out_shape=jax.ShapeDtypeStruct((grid * RP_ROWS, PK), jnp.float32),
    )(tabT)


def _sc_gather_body(idx_hbm, tab_hbm, out_hbm, idx_v, buf, sem, osem):
    wid = lax.axis_index("s") * NC + lax.axis_index("c")
    pltpu.sync_copy(idx_hbm.at[wid], idx_v)
    cps = []
    for j in range(NCHUNK):
        dst = pl.ds(j * CHUNK, CHUNK)
        cps.append(pltpu.async_copy(tab_hbm.at[idx_v.at[j]], buf.at[dst], sem))
    for c in cps:
        c.wait()
    pltpu.async_copy(buf, out_hbm.at[pl.ds(wid * BPW, BPW)], osem).wait()


def _build_sc():
    mesh = plsc.VectorSubcoreMesh(
        core_axis_name="c", subcore_axis_name="s",
        num_cores=NC, num_subcores=NS)
    return pl.kernel(
        _sc_gather_body,
        out_type=jax.ShapeDtypeStruct((B_TOTAL, PK), jnp.float32),
        mesh=mesh,
        compiler_params=pltpu.CompilerParams(
            needs_layout_passes=False, use_tc_tiling_on_sc=True),
        scratch_types=[
            pltpu.VMEM((NCHUNK, CHUNK), jnp.int32),
            pltpu.VMEM((BPW, PK), jnp.float32),
            pltpu.SemaphoreType.DMA,
            pltpu.SemaphoreType.DMA,
        ],
    )


def _tc_body(u_ref, p_ref, n_ref, mu_ref, mp_ref, mn_ref,
             total_ref, bpr_ref, reg_ref):
    i = pl.program_id(0)

    def sel(ref, m_ref):
        x = ref[...]
        m = m_ref[...]
        return jnp.where(m > 0, x[:, DIM:], x[:, :DIM])

    u = sel(u_ref, mu_ref)
    p = sel(p_ref, mp_ref)
    n = sel(n_ref, mn_ref)
    d = jnp.sum(u * (p - n), axis=1)
    ls = jnp.sum(jnp.log(jax.nn.sigmoid(d)))
    sq = jnp.sum(u * u) + jnp.sum(p * p) + jnp.sum(n * n)

    @pl.when(i == 0)
    def _():
        bpr_ref[...] = jnp.zeros_like(bpr_ref)
        reg_ref[...] = jnp.zeros_like(reg_ref)

    bpr_ref[...] += ls
    reg_ref[...] += sq

    @pl.when(i == TC_GRID - 1)
    def _():
        b = -bpr_ref[...] / B_TOTAL
        r = REG * (reg_ref[...] / B_TOTAL)
        bpr_ref[...] = b
        reg_ref[...] = r
        total_ref[...] = b + r


def kernel(uids, pos, neg, user_emb, item_emb):
    upk = _repack(user_emb.T, user_emb.shape[0])
    ipk = _repack(item_emb.T, item_emb.shape[0])

    def prep(ids):
        pid = (ids // RP_LANES) * RP_ROWS + (ids % RP_ROWS)
        half = (ids % RP_LANES) // RP_ROWS
        pid3 = pid.reshape(NW, NCHUNK, CHUNK)
        m = half.astype(jnp.float32).reshape(B_TOTAL, 1)
        return pid3, m

    up3, mu = prep(uids)
    pp3, mp = prep(pos)
    np3, mn = prep(neg)
    sc = _build_sc()
    ue = sc(up3, upk)
    pe = sc(pp3, ipk)
    ne = sc(np3, ipk)
    total, bpr, reg = pl.pallas_call(
        _tc_body,
        grid=(TC_GRID,),
        in_specs=[
            pl.BlockSpec((TC_BLOCK, PK), lambda i: (i, 0)),
            pl.BlockSpec((TC_BLOCK, PK), lambda i: (i, 0)),
            pl.BlockSpec((TC_BLOCK, PK), lambda i: (i, 0)),
            pl.BlockSpec((TC_BLOCK, 1), lambda i: (i, 0)),
            pl.BlockSpec((TC_BLOCK, 1), lambda i: (i, 0)),
            pl.BlockSpec((TC_BLOCK, 1), lambda i: (i, 0)),
        ],
        out_specs=[
            pl.BlockSpec((1, 1), lambda i: (0, 0)),
            pl.BlockSpec((1, 1), lambda i: (0, 0)),
            pl.BlockSpec((1, 1), lambda i: (0, 0)),
        ],
        out_shape=[
            jax.ShapeDtypeStruct((1, 1), jnp.float32),
            jax.ShapeDtypeStruct((1, 1), jnp.float32),
            jax.ShapeDtypeStruct((1, 1), jnp.float32),
        ],
    )(ue, pe, ne, mu, mp, mn)
    return total[0, 0], bpr[0, 0], reg[0, 0]

# --- scband reference (transcript-rebuilt; emitter-appended) ---
"""Pipeline reference for scband-bpr-20753281975004 (READ-ONLY COPY).

The authoritative reference and input builder live on the scoring server;
editing this copy changes nothing except your own understanding.
"""

import jax, jax.numpy as jnp
import numpy as np

NUM_USERS = 1000000
NUM_ITEMS = 1000000
DIM = 64
B = 16384
REG_WEIGHT = 0.0001


def _xavier_uniform(key, num, dim):
    a = float(np.sqrt(6.0 / (num + dim)))
    return jax.random.uniform(key, (num, dim), dtype=jnp.float32, minval=-a, maxval=a)


def setup_inputs(seed: int = 0) -> dict:
    key = jax.random.key(seed)
    k1, k2, k3, k4, k5 = jax.random.split(key, 5)
    user_emb = _xavier_uniform(k1, NUM_USERS, DIM)
    item_emb = _xavier_uniform(k2, NUM_ITEMS, DIM)
    uids = jax.random.randint(k3, (B,), 0, NUM_USERS, dtype=jnp.int64 if jax.config.jax_enable_x64 else jnp.int32)
    pos = jax.random.randint(k4, (B,), 0, NUM_ITEMS, dtype=jnp.int64 if jax.config.jax_enable_x64 else jnp.int32)
    neg = jax.random.randint(k5, (B,), 0, NUM_ITEMS, dtype=jnp.int64 if jax.config.jax_enable_x64 else jnp.int32)
    return {"uids": uids, "pos": pos, "neg": neg, "user_emb": user_emb, "item_emb": item_emb}


def reference(uids, pos, neg, user_emb, item_emb):
    # Gather embeddings (SparseCore-friendly gathers)
    user_e = jnp.take(user_emb, uids, axis=0)
    pos_e = jnp.take(item_emb, pos, axis=0)
    neg_e = jnp.take(item_emb, neg, axis=0)
    # BPR loss
    pos_scores = jnp.sum(user_e * pos_e, axis=1)
    neg_scores = jnp.sum(user_e * neg_e, axis=1)
    bpr_loss = -jnp.mean(jnp.log(jax.nn.sigmoid(pos_scores - neg_scores)))
    # L2 regularization (norm(2).pow(2) == sum of squares)
    l2_reg = (jnp.sum(user_e ** 2) + jnp.sum(pos_e ** 2) + jnp.sum(neg_e ** 2)) / user_e.shape[0]
    reg_loss = REG_WEIGHT * l2_reg
    total_loss = bpr_loss + reg_loss
    return (total_loss, bpr_loss, reg_loss)

if __name__ == "__main__":
    import jax
    _d = setup_inputs()
    print(jax.jit(kernel)(*tuple(_d.values())))

</pallas_src>

<mosaic_0001>
#map = affine_map<(d0, d1) -> (0, 0, 0)>
#map1 = affine_map<(d0, d1) -> (0, 0)>
module attributes {stable_mosaic.version = 14 : i64} {
  func.func @_sc_gather_body(%arg0: i32, %arg1: i32, %arg2: memref<32x4x128xi32, #tpu.memory_space<hbm>>, %arg3: memref<500736x128xf32, #tpu.memory_space<hbm>>, %arg4: memref<16384x128xf32, #tpu.memory_space<hbm>>, %arg5: memref<4x128xi32, #tpu.memory_space<vmem>>, %arg6: memref<512x128xf32, #tpu.memory_space<vmem>>, %arg7: memref<!tpu.dma_semaphore, #tpu.memory_space<semaphore_mem>>, %arg8: memref<!tpu.dma_semaphore, #tpu.memory_space<semaphore_mem>>) attributes {dimension_semantics = [#tpu.dimension_semantics<core_parallel>, #tpu.dimension_semantics<subcore_parallel>], iteration_bounds = array<i64: 2, 16>, scalar_prefetch = 0 : i64, scratch_operands = 4 : i64, tpu.core_type = #tpu.core_type<sc_vector_subcore>, window_params = [{transform_indices = #map}, {transform_indices = #map1}, {transform_indices = #map1}]} {
    %mul3A = arith.constant 2 : i32
    %mul3A_0 = arith.muli %arg1, %mul3A : i32
    %add3A = arith.addi %mul3A_0, %arg0 : i32
    "tpu.region"() ({
      %run_scoped3A = tpu.sem_alloc : memref<!tpu.dma_semaphore, #tpu.memory_space<semaphore_mem>>
      %dma_start3A_89 = arith.constant 0 : i32
      %dma_start3A_90 = arith.constant 0 : i32
      %dma_start3A_91 = tpu.memref_slice %arg2[%add3A, %dma_start3A_89, %dma_start3A_90] : memref<32x4x128xi32, #tpu.memory_space<hbm>> -> memref<1x4x128xi32, #tpu.memory_space<hbm>>
      %dma_start3A_92 = tpu.memref_squeeze %dma_start3A_91 : memref<1x4x128xi32, #tpu.memory_space<hbm>> -> memref<4x128xi32, #tpu.memory_space<hbm>>
      %dma_start3A_93 = arith.constant 0 : i32
      %dma_start3A_94 = arith.constant 0 : i32
      %dma_start3A_95 = tpu.memref_slice %arg2[%add3A, %dma_start3A_93, %dma_start3A_94] : memref<32x4x128xi32, #tpu.memory_space<hbm>> -> memref<1x4x128xi32, #tpu.memory_space<hbm>>
      %dma_start3A_96 = tpu.memref_squeeze %dma_start3A_95 : memref<1x4x128xi32, #tpu.memory_space<hbm>> -> memref<4x128xi32, #tpu.memory_space<hbm>>
      tpu.enqueue_dma source(%dma_start3A_96 : memref<4x128xi32, #tpu.memory_space<hbm>>) target(%arg5 : memref<4x128xi32, #tpu.memory_space<vmem>>) target_semaphore(%run_scoped3A : memref<!tpu.dma_semaphore, #tpu.memory_space<semaphore_mem>>)
      %dma_wait3A_97 = arith.constant 0 : i32
      %dma_wait3A_98 = arith.constant 0 : i32
      %dma_wait3A_99 = tpu.memref_slice %arg2[%add3A, %dma_wait3A_97, %dma_wait3A_98] : memref<32x4x128xi32, #tpu.memory_space<hbm>> -> memref<1x4x128xi32, #tpu.memory_space<hbm>>
      %dma_wait3A_100 = tpu.memref_squeeze %dma_wait3A_99 : memref<1x4x128xi32, #tpu.memory_space<hbm>> -> memref<4x128xi32, #tpu.memory_space<hbm>>
      %dma_wait3A_101 = arith.constant 0 : i32
      %dma_wait3A_102 = arith.constant 0 : i32
      %dma_wait3A_103 = tpu.memref_slice %arg2[%add3A, %dma_wait3A_101, %dma_wait3A_102] : memref<32x4x128xi32, #tpu.memory_space<hbm>> -> memref<1x4x128xi32, #tpu.memory_space<hbm>>
      %dma_wait3A_104 = tpu.memref_squeeze %dma_wait3A_103 : memref<1x4x128xi32, #tpu.memory_space<hbm>> -> memref<4x128xi32, #tpu.memory_space<hbm>>
      tpu.wait_dma2 semaphore(%run_scoped3A : memref<!tpu.dma_semaphore, #tpu.memory_space<semaphore_mem>>) src(%dma_wait3A_104 : memref<4x128xi32, #tpu.memory_space<hbm>>) dst(%arg5 : memref<4x128xi32, #tpu.memory_space<vmem>>)
      tpu.yield
    }) : () -> ()
    %dma_start3A = arith.constant 0 : i32
    %dma_start3A_1 = arith.constant 0 : i32
    %dma_start3A_2 = arith.constant 0 : i32
    %dma_start3A_3 = tpu.memref_slice %arg6[%dma_start3A_1, %dma_start3A_2] : memref<512x128xf32, #tpu.memory_space<vmem>> -> memref<128x128xf32, #tpu.memory_space<vmem>>
    %dma_start3A_4 = arith.constant 0 : i32
    %dma_start3A_5 = tpu.memref_slice %arg5[%dma_start3A, %dma_start3A_4] : memref<4x128xi32, #tpu.memory_space<vmem>> -> memref<1x128xi32, #tpu.memory_space<vmem>>
    %dma_start3A_6 = tpu.memref_squeeze %dma_start3A_5 : memref<1x128xi32, #tpu.memory_space<vmem>> -> memref<128xi32, #tpu.memory_space<vmem>>
    %dma_start3A_7 = arith.constant 0 : i32
    %dma_start3A_8 = arith.constant 0 : i32
    %dma_start3A_9 = tpu.memref_slice %arg3[%dma_start3A_7, %dma_start3A_8] : memref<500736x128xf32, #tpu.memory_space<hbm>> -> memref<500736x128xf32, #tpu.memory_space<hbm>>
    tpu.enqueue_indirect_dma source(%dma_start3A_9 : memref<500736x128xf32, #tpu.memory_space<hbm>>) target(%dma_start3A_3 : memref<128x128xf32, #tpu.memory_space<vmem>>) offsets(%dma_start3A_6 : memref<128xi32, #tpu.memory_space<vmem>>) semaphore(%arg7 : memref<!tpu.dma_semaphore, #tpu.memory_space<semaphore_mem>>)
    %dma_start3A_10 = arith.constant 1 : i32
    %dma_start3A_11 = arith.constant 128 : i32
    %dma_start3A_12 = arith.constant 0 : i32
    %dma_start3A_13 = tpu.memref_slice %arg6[%dma_start3A_11, %dma_start3A_12] : memref<512x128xf32, #tpu.memory_space<vmem>> -> memref<128x128xf32, #tpu.memory_space<vmem>>
    %dma_start3A_14 = arith.constant 0 : i32
    %dma_start3A_15 = tpu.memref_slice %arg5[%dma_start3A_10, %dma_start3A_14] : memref<4x128xi32, #tpu.memory_space<vmem>> -> memref<1x128xi32, #tpu.memory_space<vmem>>
    %dma_start3A_16 = tpu.memref_squeeze %dma_start3A_15 : memref<1x128xi32, #tpu.memory_space<vmem>> -> memref<128xi32, #tpu.memory_space<vmem>>
    %dma_start3A_17 = arith.constant 0 : i32
    %dma_start3A_18 = arith.constant 0 : i32
    %dma_start3A_19 = tpu.memref_slice %arg3[%dma_start3A_17, %dma_start3A_18] : memref<500736x128xf32, #tpu.memory_space<hbm>> -> memref<500736x128xf32, #tpu.memory_space<hbm>>
    tpu.enqueue_indirect_dma source(%dma_start3A_19 : memref<500736x128xf32, #tpu.memory_space<hbm>>) target(%dma_start3A_13 : memref<128x128xf32, #tpu.memory_space<vmem>>) offsets(%dma_start3A_16 : memref<128xi32, #tpu.memory_space<vmem>>) semaphore(%arg7 : memref<!tpu.dma_semaphore, #tpu.memory_space<semaphore_mem>>)
    %dma_start3A_20 = arith.constant 2 : i32
    %dma_start3A_21 = arith.constant 256 : i32
    %dma_start3A_22 = arith.constant 0 : i32
    %dma_start3A_23 = tpu.memref_slice %arg6[%dma_start3A_21, %dma_start3A_22] : memref<512x128xf32, #tpu.memory_space<vmem>> -> memref<128x128xf32, #tpu.memory_space<vmem>>
    %dma_start3A_24 = arith.constant 0 : i32
    %dma_start3A_25 = tpu.memref_slice %arg5[%dma_start3A_20, %dma_start3A_24] : memref<4x128xi32, #tpu.memory_space<vmem>> -> memref<1x128xi32, #tpu.memory_space<vmem>>
    %dma_start3A_26 = tpu.memref_squeeze %dma_start3A_25 : memref<1x128xi32, #tpu.memory_space<vmem>> -> memref<128xi32, #tpu.memory_space<vmem>>
    %dma_start3A_27 = arith.constant 0 : i32
    %dma_start3A_28 = arith.constant 0 : i32
    %dma_start3A_29 = tpu.memref_slice %arg3[%dma_start3A_27, %dma_start3A_28] : memref<500736x128xf32, #tpu.memory_space<hbm>> -> memref<500736x128xf32, #tpu.memory_space<hbm>>
    tpu.enqueue_indirect_dma source(%dma_start3A_29 : memref<500736x128xf32, #tpu.memory_space<hbm>>) target(%dma_start3A_23 : memref<128x128xf32, #tpu.memory_space<vmem>>) offsets(%dma_start3A_26 : memref<128xi32, #tpu.memory_space<vmem>>) semaphore(%arg7 : memref<!tpu.dma_semaphore, #tpu.memory_space<semaphore_mem>>)
    %dma_start3A_30 = arith.constant 3 : i32
    %dma_start3A_31 = arith.constant 384 : i32
    %dma_start3A_32 = arith.constant 0 : i32
    %dma_start3A_33 = tpu.memref_slice %arg6[%dma_start3A_31, %dma_start3A_32] : memref<512x128xf32, #tpu.memory_space<vmem>> -> memref<128x128xf32, #tpu.memory_space<vmem>>
    %dma_start3A_34 = arith.constant 0 : i32
    %dma_start3A_35 = tpu.memref_slice %arg5[%dma_start3A_30, %dma_start3A_34] : memref<4x128xi32, #tpu.memory_space<vmem>> -> memref<1x128xi32, #tpu.memory_space<vmem>>
    %dma_start3A_36 = tpu.memref_squeeze %dma_start3A_35 : memref<1x128xi32, #tpu.memory_space<vmem>> -> memref<128xi32, #tpu.memory_space<vmem>>
    %dma_start3A_37 = arith.constant 0 : i32
    %dma_start3A_38 = arith.constant 0 : i32
    %dma_start3A_39 = tpu.memref_slice %arg3[%dma_start3A_37, %dma_start3A_38] : memref<500736x128xf32, #tpu.memory_space<hbm>> -> memref<500736x128xf32, #tpu.memory_space<hbm>>
    tpu.enqueue_indirect_dma source(%dma_start3A_39 : memref<500736x128xf32, #tpu.memory_space<hbm>>) target(%dma_start3A_33 : memref<128x128xf32, #tpu.memory_space<vmem>>) offsets(%dma_start3A_36 : memref<128xi32, #tpu.memory_space<vmem>>) semaphore(%arg7 : memref<!tpu.dma_semaphore, #tpu.memory_space<semaphore_mem>>)
    %dma_wait3A = arith.constant 0 : i32
    %dma_wait3A_40 = arith.constant 0 : i32
    %dma_wait3A_41 = arith.constant 0 : i32
    %dma_wait3A_42 = tpu.memref_slice %arg6[%dma_wait3A_40, %dma_wait3A_41] : memref<512x128xf32, #tpu.memory_space<vmem>> -> memref<128x128xf32, #tpu.memory_space<vmem>>
    %dma_wait3A_43 = arith.constant 0 : i32
    %dma_wait3A_44 = tpu.memref_slice %arg5[%dma_wait3A, %dma_wait3A_43] : memref<4x128xi32, #tpu.memory_space<vmem>> -> memref<1x128xi32, #tpu.memory_space<vmem>>
    %dma_wait3A_45 = tpu.memref_squeeze %dma_wait3A_44 : memref<1x128xi32, #tpu.memory_space<vmem>> -> memref<128xi32, #tpu.memory_space<vmem>>
    %dma_wait3A_46 = arith.constant 0 : i32
    %dma_wait3A_47 = arith.constant 0 : i32
    %dma_wait3A_48 = tpu.memref_slice %arg3[%dma_wait3A_46, %dma_wait3A_47] : memref<500736x128xf32, #tpu.memory_space<hbm>> -> memref<500736x128xf32, #tpu.memory_space<hbm>>
    tpu.wait_indirect_dma semaphore(%arg7 : memref<!tpu.dma_semaphore, #tpu.memory_space<semaphore_mem>>) src(%dma_wait3A_48 : memref<500736x128xf32, #tpu.memory_space<hbm>>) dst(%dma_wait3A_42 : memref<128x128xf32, #tpu.memory_space<vmem>>)
    %dma_wait3A_49 = arith.constant 1 : i32
    %dma_wait3A_50 = arith.constant 128 : i32
    %dma_wait3A_51 = arith.constant 0 : i32
    %dma_wait3A_52 = tpu.memref_slice %arg6[%dma_wait3A_50, %dma_wait3A_51] : memref<512x128xf32, #tpu.memory_space<vmem>> -> memref<128x128xf32, #tpu.memory_space<vmem>>
    %dma_wait3A_53 = arith.constant 0 : i32
    %dma_wait3A_54 = tpu.memref_slice %arg5[%dma_wait3A_49, %dma_wait3A_53] : memref<4x128xi32, #tpu.memory_space<vmem>> -> memref<1x128xi32, #tpu.memory_space<vmem>>
    %dma_wait3A_55 = tpu.memref_squeeze %dma_wait3A_54 : memref<1x128xi32, #tpu.memory_space<vmem>> -> memref<128xi32, #tpu.memory_space<vmem>>
    %dma_wait3A_56 = arith.constant 0 : i32
    %dma_wait3A_57 = arith.constant 0 : i32
    %dma_wait3A_58 = tpu.memref_slice %arg3[%dma_wait3A_56, %dma_wait3A_57] : memref<500736x128xf32, #tpu.memory_space<hbm>> -> memref<500736x128xf32, #tpu.memory_space<hbm>>
    tpu.wait_indirect_dma semaphore(%arg7 : memref<!tpu.dma_semaphore, #tpu.memory_space<semaphore_mem>>) src(%dma_wait3A_58 : memref<500736x128xf32, #tpu.memory_space<hbm>>) dst(%dma_wait3A_52 : memref<128x128xf32, #tpu.memory_space<vmem>>)
    %dma_wait3A_59 = arith.constant 2 : i32
    %dma_wait3A_60 = arith.constant 256 : i32
    %dma_wait3A_61 = arith.constant 0 : i32
    %dma_wait3A_62 = tpu.memref_slice %arg6[%dma_wait3A_60, %dma_wait3A_61] : memref<512x128xf32, #tpu.memory_space<vmem>> -> memref<128x128xf32, #tpu.memory_space<vmem>>
    %dma_wait3A_63 = arith.constant 0 : i32
    %dma_wait3A_64 = tpu.memref_slice %arg5[%dma_wait3A_59, %dma_wait3A_63] : memref<4x128xi32, #tpu.memory_space<vmem>> -> memref<1x128xi32, #tpu.memory_space<vmem>>
    %dma_wait3A_65 = tpu.memref_squeeze %dma_wait3A_64 : memref<1x128xi32, #tpu.memory_space<vmem>> -> memref<128xi32, #tpu.memory_space<vmem>>
    %dma_wait3A_66 = arith.constant 0 : i32
    %dma_wait3A_67 = arith.constant 0 : i32
    %dma_wait3A_68 = tpu.memref_slice %arg3[%dma_wait3A_66, %dma_wait3A_67] : memref<500736x128xf32, #tpu.memory_space<hbm>> -> memref<500736x128xf32, #tpu.memory_space<hbm>>
    tpu.wait_indirect_dma semaphore(%arg7 : memref<!tpu.dma_semaphore, #tpu.memory_space<semaphore_mem>>) src(%dma_wait3A_68 : memref<500736x128xf32, #tpu.memory_space<hbm>>) dst(%dma_wait3A_62 : memref<128x128xf32, #tpu.memory_space<vmem>>)
    %dma_wait3A_69 = arith.constant 3 : i32
    %dma_wait3A_70 = arith.constant 384 : i32
    %dma_wait3A_71 = arith.constant 0 : i32
    %dma_wait3A_72 = tpu.memref_slice %arg6[%dma_wait3A_70, %dma_wait3A_71] : memref<512x128xf32, #tpu.memory_space<vmem>> -> memref<128x128xf32, #tpu.memory_space<vmem>>
    %dma_wait3A_73 = arith.constant 0 : i32
    %dma_wait3A_74 = tpu.memref_slice %arg5[%dma_wait3A_69, %dma_wait3A_73] : memref<4x128xi32, #tpu.memory_space<vmem>> -> memref<1x128xi32, #tpu.memory_space<vmem>>
    %dma_wait3A_75 = tpu.memref_squeeze %dma_wait3A_74 : memref<1x128xi32, #tpu.memory_space<vmem>> -> memref<128xi32, #tpu.memory_space<vmem>>
    %dma_wait3A_76 = arith.constant 0 : i32
    %dma_wait3A_77 = arith.constant 0 : i32
    %dma_wait3A_78 = tpu.memref_slice %arg3[%dma_wait3A_76, %dma_wait3A_77] : memref<500736x128xf32, #tpu.memory_space<hbm>> -> memref<500736x128xf32, #tpu.memory_space<hbm>>
    tpu.wait_indirect_dma semaphore(%arg7 : memref<!tpu.dma_semaphore, #tpu.memory_space<semaphore_mem>>) src(%dma_wait3A_78 : memref<500736x128xf32, #tpu.memory_space<hbm>>) dst(%dma_wait3A_72 : memref<128x128xf32, #tpu.memory_space<vmem>>)
    %mul3A_79 = arith.constant 512 : i32
    %mul3A_80 = arith.muli %add3A, %mul3A_79 : i32
    %dma_start3A_81 = arith.constant 0 : i32
    %dma_start3A_82 = tpu.memref_slice %arg4[%mul3A_80, %dma_start3A_81] : memref<16384x128xf32, #tpu.memory_space<hbm>> -> memref<512x128xf32, #tpu.memory_space<hbm>>
    %dma_start3A_83 = arith.constant 0 : i32
    %dma_start3A_84 = tpu.memref_slice %arg4[%mul3A_80, %dma_start3A_83] : memref<16384x128xf32, #tpu.memory_space<hbm>> -> memref<512x128xf32, #tpu.memory_space<hbm>>
    tpu.enqueue_dma source(%arg6 : memref<512x128xf32, #tpu.memory_space<vmem>>) target(%dma_start3A_84 : memref<512x128xf32, #tpu.memory_space<hbm>>) target_semaphore(%arg8 : memref<!tpu.dma_semaphore, #tpu.memory_space<semaphore_mem>>)
    %dma_wait3A_85 = arith.constant 0 : i32
    %dma_wait3A_86 = tpu.memref_slice %arg4[%mul3A_80, %dma_wait3A_85] : memref<16384x128xf32, #tpu.memory_space<hbm>> -> memref<512x128xf32, #tpu.memory_space<hbm>>
    %dma_wait3A_87 = arith.constant 0 : i32
    %dma_wait3A_88 = tpu.memref_slice %arg4[%mul3A_80, %dma_wait3A_87] : memref<16384x128xf32, #tpu.memory_space<hbm>> -> memref<512x128xf32, #tpu.memory_space<hbm>>
    tpu.wait_dma2 semaphore(%arg8 : memref<!tpu.dma_semaphore, #tpu.memory_space<semaphore_mem>>) src(%arg6 : memref<512x128xf32, #tpu.memory_space<vmem>>) dst(%dma_wait3A_88 : memref<512x128xf32, #tpu.memory_space<hbm>>)
    return
  }
}

#map = affine_map<(d0, d1) -> (0, 0, 0)>
#map1 = affine_map<(d0, d1) -> (0, 0)>
module attributes {stable_mosaic.version = 14 : i64} {
  func.func @_sc_gather_body(%arg0: i32, %arg1: i32, %arg2: memref<32x4x128xi32, #tpu.memory_space<hbm>>, %arg3: memref<500736x128xf32, #tpu.memory_space<hbm>>, %arg4: memref<16384x128xf32, #tpu.memory_space<hbm>>, %arg5: memref<4x128xi32, #tpu.memory_space<vmem>>, %arg6: memref<512x128xf32, #tpu.memory_space<vmem>>, %arg7: memref<!tpu.dma_semaphore, #tpu.memory_space<semaphore_mem>>, %arg8: memref<!tpu.dma_semaphore, #tpu.memory_space<semaphore_mem>>) attributes {dimension_semantics = [#tpu.dimension_semantics<core_parallel>, #tpu.dimension_semantics<subcore_parallel>], iteration_bounds = array<i64: 2, 16>, scalar_prefetch = 0 : i64, scratch_operands = 4 : i64, tpu.core_type = #tpu.core_type<sc_vector_subcore>, window_params = [{transform_indices = #map}, {transform_indices = #map1}, {transform_indices = #map1}]} {
    %mul3A = arith.constant 2 : i32
    %mul3A_0 = arith.muli %arg1, %mul3A : i32
    %add3A = arith.addi %mul3A_0, %arg0 : i32
    "tpu.region"() ({
      %run_scoped3A = tpu.sem_alloc : memref<!tpu.dma_semaphore, #tpu.memory_space<semaphore_mem>>
      %dma_start3A_89 = arith.constant 0 : i32
      %dma_start3A_90 = arith.constant 0 : i32
      %dma_start3A_91 = tpu.memref_slice %arg2[%add3A, %dma_start3A_89, %dma_start3A_90] : memref<32x4x128xi32, #tpu.memory_space<hbm>> -> memref<1x4x128xi32, #tpu.memory_space<hbm>>
      %dma_start3A_92 = tpu.memref_squeeze %dma_start3A_91 : memref<1x4x128xi32, #tpu.memory_space<hbm>> -> memref<4x128xi32, #tpu.memory_space<hbm>>
      %dma_start3A_93 = arith.constant 0 : i32
      %dma_start3A_94 = arith.constant 0 : i32
      %dma_start3A_95 = tpu.memref_slice %arg2[%add3A, %dma_start3A_93, %dma_start3A_94] : memref<32x4x128xi32, #tpu.memory_space<hbm>> -> memref<1x4x128xi32, #tpu.memory_space<hbm>>
      %dma_start3A_96 = tpu.memref_squeeze %dma_start3A_95 : memref<1x4x128xi32, #tpu.memory_space<hbm>> -> memref<4x128xi32, #tpu.memory_space<hbm>>
      tpu.enqueue_dma source(%dma_start3A_96 : memref<4x128xi32, #tpu.memory_space<hbm>>) target(%arg5 : memref<4x128xi32, #tpu.memory_space<vmem>>) target_semaphore(%run_scoped3A : memref<!tpu.dma_semaphore, #tpu.memory_space<semaphore_mem>>)
      %dma_wait3A_97 = arith.constant 0 : i32
      %dma_wait3A_98 = arith.constant 0 : i32
      %dma_wait3A_99 = tpu.memref_slice %arg2[%add3A, %dma_wait3A_97, %dma_wait3A_98] : memref<32x4x128xi32, #tpu.memory_space<hbm>> -> memref<1x4x128xi32, #tpu.memory_space<hbm>>
      %dma_wait3A_100 = tpu.memref_squeeze %dma_wait3A_99 : memref<1x4x128xi32, #tpu.memory_space<hbm>> -> memref<4x128xi32, #tpu.memory_space<hbm>>
      %dma_wait3A_101 = arith.constant 0 : i32
      %dma_wait3A_102 = arith.constant 0 : i32
      %dma_wait3A_103 = tpu.memref_slice %arg2[%add3A, %dma_wait3A_101, %dma_wait3A_102] : memref<32x4x128xi32, #tpu.memory_space<hbm>> -> memref<1x4x128xi32, #tpu.memory_space<hbm>>
      %dma_wait3A_104 = tpu.memref_squeeze %dma_wait3A_103 : memref<1x4x128xi32, #tpu.memory_space<hbm>> -> memref<4x128xi32, #tpu.memory_space<hbm>>
      tpu.wait_dma2 semaphore(%run_scoped3A : memref<!tpu.dma_semaphore, #tpu.memory_space<semaphore_mem>>) src(%dma_wait3A_104 : memref<4x128xi32, #tpu.memory_space<hbm>>) dst(%arg5 : memref<4x128xi32, #tpu.memory_space<vmem>>)
      tpu.yield
    }) : () -> ()
    %dma_start3A = arith.constant 0 : i32
    %dma_start3A_1 = arith.constant 0 : i32
    %dma_start3A_2 = arith.constant 0 : i32
    %dma_start3A_3 = tpu.memref_slice %arg6[%dma_start3A_1, %dma_start3A_2] : memref<512x128xf32, #tpu.memory_space<vmem>> -> memref<128x128xf32, #tpu.memory_space<vmem>>
    %dma_start3A_4 = arith.constant 0 : i32
    %dma_start3A_5 = tpu.memref_slice %arg5[%dma_start3A, %dma_start3A_4] : memref<4x128xi32, #tpu.memory_space<vmem>> -> memref<1x128xi32, #tpu.memory_space<vmem>>
    %dma_start3A_6 = tpu.memref_squeeze %dma_start3A_5 : memref<1x128xi32, #tpu.memory_space<vmem>> -> memref<128xi32, #tpu.memory_space<vmem>>
    %dma_start3A_7 = arith.constant 0 : i32
    %dma_start3A_8 = arith.constant 0 : i32
    %dma_start3A_9 = tpu.memref_slice %arg3[%dma_start3A_7, %dma_start3A_8] : memref<500736x128xf32, #tpu.memory_space<hbm>> -> memref<500736x128xf32, #tpu.memory_space<hbm>>
    tpu.enqueue_indirect_dma source(%dma_start3A_9 : memref<500736x128xf32, #tpu.memory_space<hbm>>) target(%dma_start3A_3 : memref<128x128xf32, #tpu.memory_space<vmem>>) offsets(%dma_start3A_6 : memref<128xi32, #tpu.memory_space<vmem>>) semaphore(%arg7 : memref<!tpu.dma_semaphore, #tpu.memory_space<semaphore_mem>>)
    %dma_start3A_10 = arith.constant 1 : i32
    %dma_start3A_11 = arith.constant 128 : i32
    %dma_start3A_12 = arith.constant 0 : i32
    %dma_start3A_13 = tpu.memref_slice %arg6[%dma_start3A_11, %dma_start3A_12] : memref<512x128xf32, #tpu.memory_space<vmem>> -> memref<128x128xf32, #tpu.memory_space<vmem>>
    %dma_start3A_14 = arith.constant 0 : i32
    %dma_start3A_15 = tpu.memref_slice %arg5[%dma_start3A_10, %dma_start3A_14] : memref<4x128xi32, #tpu.memory_space<vmem>> -> memref<1x128xi32, #tpu.memory_space<vmem>>
    %dma_start3A_16 = tpu.memref_squeeze %dma_start3A_15 : memref<1x128xi32, #tpu.memory_space<vmem>> -> memref<128xi32, #tpu.memory_space<vmem>>
    %dma_start3A_17 = arith.constant 0 : i32
    %dma_start3A_18 = arith.constant 0 : i32
    %dma_start3A_19 = tpu.memref_slice %arg3[%dma_start3A_17, %dma_start3A_18] : memref<500736x128xf32, #tpu.memory_space<hbm>> -> memref<500736x128xf32, #tpu.memory_space<hbm>>
    tpu.enqueue_indirect_dma source(%dma_start3A_19 : memref<500736x128xf32, #tpu.memory_space<hbm>>) target(%dma_start3A_13 : memref<128x128xf32, #tpu.memory_space<vmem>>) offsets(%dma_start3A_16 : memref<128xi32, #tpu.memory_space<vmem>>) semaphore(%arg7 : memref<!tpu.dma_semaphore, #tpu.memory_space<semaphore_mem>>)
    %dma_start3A_20 = arith.constant 2 : i32
    %dma_start3A_21 = arith.constant 256 : i32
    %dma_start3A_22 = arith.constant 0 : i32
    %dma_start3A_23 = tpu.memref_slice %arg6[%dma_start3A_21, %dma_start3A_22] : memref<512x128xf32, #tpu.memory_space<vmem>> -> memref<128x128xf32, #tpu.memory_space<vmem>>
    %dma_start3A_24 = arith.constant 0 : i32
    %dma_start3A_25 = tpu.memref_slice %arg5[%dma_start3A_20, %dma_start3A_24] : memref<4x128xi32, #tpu.memory_space<vmem>> -> memref<1x128xi32, #tpu.memory_space<vmem>>
    %dma_start3A_26 = tpu.memref_squeeze %dma_start3A_25 : memref<1x128xi32, #tpu.memory_space<vmem>> -> memref<128xi32, #tpu.memory_space<vmem>>
    %dma_start3A_27 = arith.constant 0 : i32
    %dma_start3A_28 = arith.constant 0 : i32
    %dma_start3A_29 = tpu.memref_slice %arg3[%dma_start3A_27, %dma_start3A_28] : memref<500736x128xf32, #tpu.memory_space<hbm>> -> memref<500736x128xf32, #tpu.memory_space<hbm>>
    tpu.enqueue_indirect_dma source(%dma_start3A_29 : memref<500736x128xf32, #tpu.memory_space<hbm>>) target(%dma_start3A_23 : memref<128x128xf32, #tpu.memory_space<vmem>>) offsets(%dma_start3A_26 : memref<128xi32, #tpu.memory_space<vmem>>) semaphore(%arg7 : memref<!tpu.dma_semaphore, #tpu.memory_space<semaphore_mem>>)
    %dma_start3A_30 = arith.constant 3 : i32
    %dma_start3A_31 = arith.constant 384 : i32
    %dma_start3A_32 = arith.constant 0 : i32
    %dma_start3A_33 = tpu.memref_slice %arg6[%dma_start3A_31, %dma_start3A_32] : memref<512x128xf32, #tpu.memory_space<vmem>> -> memref<128x128xf32, #tpu.memory_space<vmem>>
    %dma_start3A_34 = arith.constant 0 : i32
    %dma_start3A_35 = tpu.memref_slice %arg5[%dma_start3A_30, %dma_start3A_34] : memref<4x128xi32, #tpu.memory_space<vmem>> -> memref<1x128xi32, #tpu.memory_space<vmem>>
    %dma_start3A_36 = tpu.memref_squeeze %dma_start3A_35 : memref<1x128xi32, #tpu.memory_space<vmem>> -> memref<128xi32, #tpu.memory_space<vmem>>
    %dma_start3A_37 = arith.constant 0 : i32
    %dma_start3A_38 = arith.constant 0 : i32
    %dma_start3A_39 = tpu.memref_slice %arg3[%dma_start3A_37, %dma_start3A_38] : memref<500736x128xf32, #tpu.memory_space<hbm>> -> memref<500736x128xf32, #tpu.memory_space<hbm>>
    tpu.enqueue_indirect_dma source(%dma_start3A_39 : memref<500736x128xf32, #tpu.memory_space<hbm>>) target(%dma_start3A_33 : memref<128x128xf32, #tpu.memory_space<vmem>>) offsets(%dma_start3A_36 : memref<128xi32, #tpu.memory_space<vmem>>) semaphore(%arg7 : memref<!tpu.dma_semaphore, #tpu.memory_space<semaphore_mem>>)
    %dma_wait3A = arith.constant 0 : i32
    %dma_wait3A_40 = arith.constant 0 : i32
    %dma_wait3A_41 = arith.constant 0 : i32
    %dma_wait3A_42 = tpu.memref_slice %arg6[%dma_wait3A_40, %dma_wait3A_41] : memref<512x128xf32, #tpu.memory_space<vmem>> -> memref<128x128xf32, #tpu.memory_space<vmem>>
    %dma_wait3A_43 = arith.constant 0 : i32
    %dma_wait3A_44 = tpu.memref_slice %arg5[%dma_wait3A, %dma_wait3A_43] : memref<4x128xi32, #tpu.memory_space<vmem>> -> memref<1x128xi32, #tpu.memory_space<vmem>>
    %dma_wait3A_45 = tpu.memref_squeeze %dma_wait3A_44 : memref<1x128xi32, #tpu.memory_space<vmem>> -> memref<128xi32, #tpu.memory_space<vmem>>
    %dma_wait3A_46 = arith.constant 0 : i32
    %dma_wait3A_47 = arith.constant 0 : i32
    %dma_wait3A_48 = tpu.memref_slice %arg3[%dma_wait3A_46, %dma_wait3A_47] : memref<500736x128xf32, #tpu.memory_space<hbm>> -> memref<500736x128xf32, #tpu.memory_space<hbm>>
    tpu.wait_indirect_dma semaphore(%arg7 : memref<!tpu.dma_semaphore, #tpu.memory_space<semaphore_mem>>) src(%dma_wait3A_48 : memref<500736x128xf32, #tpu.memory_space<hbm>>) dst(%dma_wait3A_42 : memref<128x128xf32, #tpu.memory_space<vmem>>)
    %dma_wait3A_49 = arith.constant 1 : i32
    %dma_wait3A_50 = arith.constant 128 : i32
    %dma_wait3A_51 = arith.constant 0 : i32
    %dma_wait3A_52 = tpu.memref_slice %arg6[%dma_wait3A_50, %dma_wait3A_51] : memref<512x128xf32, #tpu.memory_space<vmem>> -> memref<128x128xf32, #tpu.memory_space<vmem>>
    %dma_wait3A_53 = arith.constant 0 : i32
    %dma_wait3A_54 = tpu.memref_slice %arg5[%dma_wait3A_49, %dma_wait3A_53] : memref<4x128xi32, #tpu.memory_space<vmem>> -> memref<1x128xi32, #tpu.memory_space<vmem>>
    %dma_wait3A_55 = tpu.memref_squeeze %dma_wait3A_54 : memref<1x128xi32, #tpu.memory_space<vmem>> -> memref<128xi32, #tpu.memory_space<vmem>>
    %dma_wait3A_56 = arith.constant 0 : i32
    %dma_wait3A_57 = arith.constant 0 : i32
    %dma_wait3A_58 = tpu.memref_slice %arg3[%dma_wait3A_56, %dma_wait3A_57] : memref<500736x128xf32, #tpu.memory_space<hbm>> -> memref<500736x128xf32, #tpu.memory_space<hbm>>
    tpu.wait_indirect_dma semaphore(%arg7 : memref<!tpu.dma_semaphore, #tpu.memory_space<semaphore_mem>>) src(%dma_wait3A_58 : memref<500736x128xf32, #tpu.memory_space<hbm>>) dst(%dma_wait3A_52 : memref<128x128xf32, #tpu.memory_space<vmem>>)
    %dma_wait3A_59 = arith.constant 2 : i32
    %dma_wait3A_60 = arith.constant 256 : i32
    %dma_wait3A_61 = arith.constant 0 : i32
    %dma_wait3A_62 = tpu.memref_slice %arg6[%dma_wait3A_60, %dma_wait3A_61] : memref<512x128xf32, #tpu.memory_space<vmem>> -> memref<128x128xf32, #tpu.memory_space<vmem>>
    %dma_wait3A_63 = arith.constant 0 : i32
    %dma_wait3A_64 = tpu.memref_slice %arg5[%dma_wait3A_59, %dma_wait3A_63] : memref<4x128xi32, #tpu.memory_space<vmem>> -> memref<1x128xi32, #tpu.memory_space<vmem>>
    %dma_wait3A_65 = tpu.memref_squeeze %dma_wait3A_64 : memref<1x128xi32, #tpu.memory_space<vmem>> -> memref<128xi32, #tpu.memory_space<vmem>>
    %dma_wait3A_66 = arith.constant 0 : i32
    %dma_wait3A_67 = arith.constant 0 : i32
    %dma_wait3A_68 = tpu.memref_slice %arg3[%dma_wait3A_66, %dma_wait3A_67] : memref<500736x128xf32, #tpu.memory_space<hbm>> -> memref<500736x128xf32, #tpu.memory_space<hbm>>
    tpu.wait_indirect_dma semaphore(%arg7 : memref<!tpu.dma_semaphore, #tpu.memory_space<semaphore_mem>>) src(%dma_wait3A_68 : memref<500736x128xf32, #tpu.memory_space<hbm>>) dst(%dma_wait3A_62 : memref<128x128xf32, #tpu.memory_space<vmem>>)
    %dma_wait3A_69 = arith.constant 3 : i32
    %dma_wait3A_70 = arith.constant 384 : i32
    %dma_wait3A_71 = arith.constant 0 : i32
    %dma_wait3A_72 = tpu.memref_slice %arg6[%dma_wait3A_70, %dma_wait3A_71] : memref<512x128xf32, #tpu.memory_space<vmem>> -> memref<128x128xf32, #tpu.memory_space<vmem>>
    %dma_wait3A_73 = arith.constant 0 : i32
    %dma_wait3A_74 = tpu.memref_slice %arg5[%dma_wait3A_69, %dma_wait3A_73] : memref<4x128xi32, #tpu.memory_space<vmem>> -> memref<1x128xi32, #tpu.memory_space<vmem>>
    %dma_wait3A_75 = tpu.memref_squeeze %dma_wait3A_74 : memref<1x128xi32, #tpu.memory_space<vmem>> -> memref<128xi32, #tpu.memory_space<vmem>>
    %dma_wait3A_76 = arith.constant 0 : i32
    %dma_wait3A_77 = arith.constant 0 : i32
    %dma_wait3A_78 = tpu.memref_slice %arg3[%dma_wait3A_76, %dma_wait3A_77] : memref<500736x128xf32, #tpu.memory_space<hbm>> -> memref<500736x128xf32, #tpu.memory_space<hbm>>
    tpu.wait_indirect_dma semaphore(%arg7 : memref<!tpu.dma_semaphore, #tpu.memory_space<semaphore_mem>>) src(%dma_wait3A_78 : memref<500736x128xf32, #tpu.memory_space<hbm>>) dst(%dma_wait3A_72 : memref<128x128xf32, #tpu.memory_space<vmem>>)
    %mul3A_79 = arith.constant 512 : i32
    %mul3A_80 = arith.muli %add3A, %mul3A_79 : i32
    %dma_start3A_81 = arith.constant 0 : i32
    %dma_start3A_82 = tpu.memref_slice %arg4[%mul3A_80, %dma_start3A_81] : memref<16384x128xf32, #tpu.memory_space<hbm>> -> memref<512x128xf32, #tpu.memory_space<hbm>>
    %dma_start3A_83 = arith.constant 0 : i32
    %dma_start3A_84 = tpu.memref_slice %arg4[%mul3A_80, %dma_start3A_83] : memref<16384x128xf32, #tpu.memory_space<hbm>> -> memref<512x128xf32, #tpu.memory_space<hbm>>
    tpu.enqueue_dma source(%arg6 : memref<512x128xf32, #tpu.memory_space<vmem>>) target(%dma_start3A_84 : memref<512x128xf32, #tpu.memory_space<hbm>>) target_semaphore(%arg8 : memref<!tpu.dma_semaphore, #tpu.memory_space<semaphore_mem>>)
    %dma_wait3A_85 = arith.constant 0 : i32
    %dma_wait3A_86 = tpu.memref_slice %arg4[%mul3A_80, %dma_wait3A_85] : memref<16384x128xf32, #tpu.memory_space<hbm>> -> memref<512x128xf32, #tpu.memory_space<hbm>>
    %dma_wait3A_87 = arith.constant 0 : i32
    %dma_wait3A_88 = tpu.memref_slice %arg4[%mul3A_80, %dma_wait3A_87] : memref<16384x128xf32, #tpu.memory_space<hbm>> -> memref<512x128xf32, #tpu.memory_space<hbm>>
    tpu.wait_dma2 semaphore(%arg8 : memref<!tpu.dma_semaphore, #tpu.memory_space<semaphore_mem>>) src(%arg6 : memref<512x128xf32, #tpu.memory_space<vmem>>) dst(%dma_wait3A_88 : memref<512x128xf32, #tpu.memory_space<hbm>>)
    return
  }
}

#map = affine_map<(d0, d1) -> (0, 0, 0)>
#map1 = affine_map<(d0, d1) -> (0, 0)>
module attributes {stable_mosaic.version = 14 : i64} {
  func.func @_sc_gather_body(%arg0: i32, %arg1: i32, %arg2: memref<32x4x128xi32, #tpu.memory_space<hbm>>, %arg3: memref<500736x128xf32, #tpu.memory_space<hbm>>, %arg4: memref<16384x128xf32, #tpu.memory_space<hbm>>, %arg5: memref<4x128xi32, #tpu.memory_space<vmem>>, %arg6: memref<512x128xf32, #tpu.memory_space<vmem>>, %arg7: memref<!tpu.dma_semaphore, #tpu.memory_space<semaphore_mem>>, %arg8: memref<!tpu.dma_semaphore, #tpu.memory_space<semaphore_mem>>) attributes {dimension_semantics = [#tpu.dimension_semantics<core_parallel>, #tpu.dimension_semantics<subcore_parallel>], iteration_bounds = array<i64: 2, 16>, scalar_prefetch = 0 : i64, scratch_operands = 4 : i64, tpu.core_type = #tpu.core_type<sc_vector_subcore>, window_params = [{transform_indices = #map}, {transform_indices = #map1}, {transform_indices = #map1}]} {
    %mul3A = arith.constant 2 : i32
    %mul3A_0 = arith.muli %arg1, %mul3A : i32
    %add3A = arith.addi %mul3A_0, %arg0 : i32
    "tpu.region"() ({
      %run_scoped3A = tpu.sem_alloc : memref<!tpu.dma_semaphore, #tpu.memory_space<semaphore_mem>>
      %dma_start3A_89 = arith.constant 0 : i32
      %dma_start3A_90 = arith.constant 0 : i32
      %dma_start3A_91 = tpu.memref_slice %arg2[%add3A, %dma_start3A_89, %dma_start3A_90] : memref<32x4x128xi32, #tpu.memory_space<hbm>> -> memref<1x4x128xi32, #tpu.memory_space<hbm>>
      %dma_start3A_92 = tpu.memref_squeeze %dma_start3A_91 : memref<1x4x128xi32, #tpu.memory_space<hbm>> -> memref<4x128xi32, #tpu.memory_space<hbm>>
      %dma_start3A_93 = arith.constant 0 : i32
      %dma_start3A_94 = arith.constant 0 : i32
      %dma_start3A_95 = tpu.memref_slice %arg2[%add3A, %dma_start3A_93, %dma_start3A_94] : memref<32x4x128xi32, #tpu.memory_space<hbm>> -> memref<1x4x128xi32, #tpu.memory_space<hbm>>
      %dma_start3A_96 = tpu.memref_squeeze %dma_start3A_95 : memref<1x4x128xi32, #tpu.memory_space<hbm>> -> memref<4x128xi32, #tpu.memory_space<hbm>>
      tpu.enqueue_dma source(%dma_start3A_96 : memref<4x128xi32, #tpu.memory_space<hbm>>) target(%arg5 : memref<4x128xi32, #tpu.memory_space<vmem>>) target_semaphore(%run_scoped3A : memref<!tpu.dma_semaphore, #tpu.memory_space<semaphore_mem>>)
      %dma_wait3A_97 = arith.constant 0 : i32
      %dma_wait3A_98 = arith.constant 0 : i32
      %dma_wait3A_99 = tpu.memref_slice %arg2[%add3A, %dma_wait3A_97, %dma_wait3A_98] : memref<32x4x128xi32, #tpu.memory_space<hbm>> -> memref<1x4x128xi32, #tpu.memory_space<hbm>>
      %dma_wait3A_100 = tpu.memref_squeeze %dma_wait3A_99 : memref<1x4x128xi32, #tpu.memory_space<hbm>> -> memref<4x128xi32, #tpu.memory_space<hbm>>
      %dma_wait3A_101 = arith.constant 0 : i32
      %dma_wait3A_102 = arith.constant 0 : i32
      %dma_wait3A_103 = tpu.memref_slice %arg2[%add3A, %dma_wait3A_101, %dma_wait3A_102] : memref<32x4x128xi32, #tpu.memory_space<hbm>> -> memref<1x4x128xi32, #tpu.memory_space<hbm>>
      %dma_wait3A_104 = tpu.memref_squeeze %dma_wait3A_103 : memref<1x4x128xi32, #tpu.memory_space<hbm>> -> memref<4x128xi32, #tpu.memory_space<hbm>>
      tpu.wait_dma2 semaphore(%run_scoped3A : memref<!tpu.dma_semaphore, #tpu.memory_space<semaphore_mem>>) src(%dma_wait3A_104 : memref<4x128xi32, #tpu.memory_space<hbm>>) dst(%arg5 : memref<4x128xi32, #tpu.memory_space<vmem>>)
      tpu.yield
    }) : () -> ()
    %dma_start3A = arith.constant 0 : i32
    %dma_start3A_1 = arith.constant 0 : i32
    %dma_start3A_2 = arith.constant 0 : i32
    %dma_start3A_3 = tpu.memref_slice %arg6[%dma_start3A_1, %dma_start3A_2] : memref<512x128xf32, #tpu.memory_space<vmem>> -> memref<128x128xf32, #tpu.memory_space<vmem>>
    %dma_start3A_4 = arith.constant 0 : i32
    %dma_start3A_5 = tpu.memref_slice %arg5[%dma_start3A, %dma_start3A_4] : memref<4x128xi32, #tpu.memory_space<vmem>> -> memref<1x128xi32, #tpu.memory_space<vmem>>
    %dma_start3A_6 = tpu.memref_squeeze %dma_start3A_5 : memref<1x128xi32, #tpu.memory_space<vmem>> -> memref<128xi32, #tpu.memory_space<vmem>>
    %dma_start3A_7 = arith.constant 0 : i32
    %dma_start3A_8 = arith.constant 0 : i32
    %dma_start3A_9 = tpu.memref_slice %arg3[%dma_start3A_7, %dma_start3A_8] : memref<500736x128xf32, #tpu.memory_space<hbm>> -> memref<500736x128xf32, #tpu.memory_space<hbm>>
    tpu.enqueue_indirect_dma source(%dma_start3A_9 : memref<500736x128xf32, #tpu.memory_space<hbm>>) target(%dma_start3A_3 : memref<128x128xf32, #tpu.memory_space<vmem>>) offsets(%dma_start3A_6 : memref<128xi32, #tpu.memory_space<vmem>>) semaphore(%arg7 : memref<!tpu.dma_semaphore, #tpu.memory_space<semaphore_mem>>)
    %dma_start3A_10 = arith.constant 1 : i32
    %dma_start3A_11 = arith.constant 128 : i32
    %dma_start3A_12 = arith.constant 0 : i32
    %dma_start3A_13 = tpu.memref_slice %arg6[%dma_start3A_11, %dma_start3A_12] : memref<512x128xf32, #tpu.memory_space<vmem>> -> memref<128x128xf32, #tpu.memory_space<vmem>>
    %dma_start3A_14 = arith.constant 0 : i32
    %dma_start3A_15 = tpu.memref_slice %arg5[%dma_start3A_10, %dma_start3A_14] : memref<4x128xi32, #tpu.memory_space<vmem>> -> memref<1x128xi32, #tpu.memory_space<vmem>>
    %dma_start3A_16 = tpu.memref_squeeze %dma_start3A_15 : memref<1x128xi32, #tpu.memory_space<vmem>> -> memref<128xi32, #tpu.memory_space<vmem>>
    %dma_start3A_17 = arith.constant 0 : i32
    %dma_start3A_18 = arith.constant 0 : i32
    %dma_start3A_19 = tpu.memref_slice %arg3[%dma_start3A_17, %dma_start3A_18] : memref<500736x128xf32, #tpu.memory_space<hbm>> -> memref<500736x128xf32, #tpu.memory_space<hbm>>
    tpu.enqueue_indirect_dma source(%dma_start3A_19 : memref<500736x128xf32, #tpu.memory_space<hbm>>) target(%dma_start3A_13 : memref<128x128xf32, #tpu.memory_space<vmem>>) offsets(%dma_start3A_16 : memref<128xi32, #tpu.memory_space<vmem>>) semaphore(%arg7 : memref<!tpu.dma_semaphore, #tpu.memory_space<semaphore_mem>>)
    %dma_start3A_20 = arith.constant 2 : i32
    %dma_start3A_21 = arith.constant 256 : i32
    %dma_start3A_22 = arith.constant 0 : i32
    %dma_start3A_23 = tpu.memref_slice %arg6[%dma_start3A_21, %dma_start3A_22] : memref<512x128xf32, #tpu.memory_space<vmem>> -> memref<128x128xf32, #tpu.memory_space<vmem>>
    %dma_start3A_24 = arith.constant 0 : i32
    %dma_start3A_25 = tpu.memref_slice %arg5[%dma_start3A_20, %dma_start3A_24] : memref<4x128xi32, #tpu.memory_space<vmem>> -> memref<1x128xi32, #tpu.memory_space<vmem>>
    %dma_start3A_26 = tpu.memref_squeeze %dma_start3A_25 : memref<1x128xi32, #tpu.memory_space<vmem>> -> memref<128xi32, #tpu.memory_space<vmem>>
    %dma_start3A_27 = arith.constant 0 : i32
    %dma_start3A_28 = arith.constant 0 : i32
    %dma_start3A_29 = tpu.memref_slice %arg3[%dma_start3A_27, %dma_start3A_28] : memref<500736x128xf32, #tpu.memory_space<hbm>> -> memref<500736x128xf32, #tpu.memory_space<hbm>>
    tpu.enqueue_indirect_dma source(%dma_start3A_29 : memref<500736x128xf32, #tpu.memory_space<hbm>>) target(%dma_start3A_23 : memref<128x128xf32, #tpu.memory_space<vmem>>) offsets(%dma_start3A_26 : memref<128xi32, #tpu.memory_space<vmem>>) semaphore(%arg7 : memref<!tpu.dma_semaphore, #tpu.memory_space<semaphore_mem>>)
    %dma_start3A_30 = arith.constant 3 : i32
    %dma_start3A_31 = arith.constant 384 : i32
    %dma_start3A_32 = arith.constant 0 : i32
    %dma_start3A_33 = tpu.memref_slice %arg6[%dma_start3A_31, %dma_start3A_32] : memref<512x128xf32, #tpu.memory_space<vmem>> -> memref<128x128xf32, #tpu.memory_space<vmem>>
    %dma_start3A_34 = arith.constant 0 : i32
    %dma_start3A_35 = tpu.memref_slice %arg5[%dma_start3A_30, %dma_start3A_34] : memref<4x128xi32, #tpu.memory_space<vmem>> -> memref<1x128xi32, #tpu.memory_space<vmem>>
    %dma_start3A_36 = tpu.memref_squeeze %dma_start3A_35 : memref<1x128xi32, #tpu.memory_space<vmem>> -> memref<128xi32, #tpu.memory_space<vmem>>
    %dma_start3A_37 = arith.constant 0 : i32
    %dma_start3A_38 = arith.constant 0 : i32
    %dma_start3A_39 = tpu.memref_slice %arg3[%dma_start3A_37, %dma_start3A_38] : memref<500736x128xf32, #tpu.memory_space<hbm>> -> memref<500736x128xf32, #tpu.memory_space<hbm>>
    tpu.enqueue_indirect_dma source(%dma_start3A_39 : memref<500736x128xf32, #tpu.memory_space<hbm>>) target(%dma_start3A_33 : memref<128x128xf32, #tpu.memory_space<vmem>>) offsets(%dma_start3A_36 : memref<128xi32, #tpu.memory_space<vmem>>) semaphore(%arg7 : memref<!tpu.dma_semaphore, #tpu.memory_space<semaphore_mem>>)
    %dma_wait3A = arith.constant 0 : i32
    %dma_wait3A_40 = arith.constant 0 : i32
    %dma_wait3A_41 = arith.constant 0 : i32
    %dma_wait3A_42 = tpu.memref_slice %arg6[%dma_wait3A_40, %dma_wait3A_41] : memref<512x128xf32, #tpu.memory_space<vmem>> -> memref<128x128xf32, #tpu.memory_space<vmem>>
    %dma_wait3A_43 = arith.constant 0 : i32
    %dma_wait3A_44 = tpu.memref_slice %arg5[%dma_wait3A, %dma_wait3A_43] : memref<4x128xi32, #tpu.memory_space<vmem>> -> memref<1x128xi32, #tpu.memory_space<vmem>>
    %dma_wait3A_45 = tpu.memref_squeeze %dma_wait3A_44 : memref<1x128xi32, #tpu.memory_space<vmem>> -> memref<128xi32, #tpu.memory_space<vmem>>
    %dma_wait3A_46 = arith.constant 0 : i32
    %dma_wait3A_47 = arith.constant 0 : i32
    %dma_wait3A_48 = tpu.memref_slice %arg3[%dma_wait3A_46, %dma_wait3A_47] : memref<500736x128xf32, #tpu.memory_space<hbm>> -> memref<500736x128xf32, #tpu.memory_space<hbm>>
    tpu.wait_indirect_dma semaphore(%arg7 : memref<!tpu.dma_semaphore, #tpu.memory_space<semaphore_mem>>) src(%dma_wait3A_48 : memref<500736x128xf32, #tpu.memory_space<hbm>>) dst(%dma_wait3A_42 : memref<128x128xf32, #tpu.memory_space<vmem>>)
    %dma_wait3A_49 = arith.constant 1 : i32
    %dma_wait3A_50 = arith.constant 128 : i32
    %dma_wait3A_51 = arith.constant 0 : i32
    %dma_wait3A_52 = tpu.memref_slice %arg6[%dma_wait3A_50, %dma_wait3A_51] : memref<512x128xf32, #tpu.memory_space<vmem>> -> memref<128x128xf32, #tpu.memory_space<vmem>>
    %dma_wait3A_53 = arith.constant 0 : i32
    %dma_wait3A_54 = tpu.memref_slice %arg5[%dma_wait3A_49, %dma_wait3A_53] : memref<4x128xi32, #tpu.memory_space<vmem>> -> memref<1x128xi32, #tpu.memory_space<vmem>>
    %dma_wait3A_55 = tpu.memref_squeeze %dma_wait3A_54 : memref<1x128xi32, #tpu.memory_space<vmem>> -> memref<128xi32, #tpu.memory_space<vmem>>
    %dma_wait3A_56 = arith.constant 0 : i32
    %dma_wait3A_57 = arith.constant 0 : i32
    %dma_wait3A_58 = tpu.memref_slice %arg3[%dma_wait3A_56, %dma_wait3A_57] : memref<500736x128xf32, #tpu.memory_space<hbm>> -> memref<500736x128xf32, #tpu.memory_space<hbm>>
    tpu.wait_indirect_dma semaphore(%arg7 : memref<!tpu.dma_semaphore, #tpu.memory_space<semaphore_mem>>) src(%dma_wait3A_58 : memref<500736x128xf32, #tpu.memory_space<hbm>>) dst(%dma_wait3A_52 : memref<128x128xf32, #tpu.memory_space<vmem>>)
    %dma_wait3A_59 = arith.constant 2 : i32
    %dma_wait3A_60 = arith.constant 256 : i32
    %dma_wait3A_61 = arith.constant 0 : i32
    %dma_wait3A_62 = tpu.memref_slice %arg6[%dma_wait3A_60, %dma_wait3A_61] : memref<512x128xf32, #tpu.memory_space<vmem>> -> memref<128x128xf32, #tpu.memory_space<vmem>>
    %dma_wait3A_63 = arith.constant 0 : i32
    %dma_wait3A_64 = tpu.memref_slice %arg5[%dma_wait3A_59, %dma_wait3A_63] : memref<4x128xi32, #tpu.memory_space<vmem>> -> memref<1x128xi32, #tpu.memory_space<vmem>>
    %dma_wait3A_65 = tpu.memref_squeeze %dma_wait3A_64 : memref<1x128xi32, #tpu.memory_space<vmem>> -> memref<128xi32, #tpu.memory_space<vmem>>
    %dma_wait3A_66 = arith.constant 0 : i32
    %dma_wait3A_67 = arith.constant 0 : i32
    %dma_wait3A_68 = tpu.memref_slice %arg3[%dma_wait3A_66, %dma_wait3A_67] : memref<500736x128xf32, #tpu.memory_space<hbm>> -> memref<500736x128xf32, #tpu.memory_space<hbm>>
    tpu.wait_indirect_dma semaphore(%arg7 : memref<!tpu.dma_semaphore, #tpu.memory_space<semaphore_mem>>) src(%dma_wait3A_68 : memref<500736x128xf32, #tpu.memory_space<hbm>>) dst(%dma_wait3A_62 : memref<128x128xf32, #tpu.memory_space<vmem>>)
    %dma_wait3A_69 = arith.constant 3 : i32
    %dma_wait3A_70 = arith.constant 384 : i32
    %dma_wait3A_71 = arith.constant 0 : i32
    %dma_wait3A_72 = tpu.memref_slice %arg6[%dma_wait3A_70, %dma_wait3A_71] : memref<512x128xf32, #tpu.memory_space<vmem>> -> memref<128x128xf32, #tpu.memory_space<vmem>>
    %dma_wait3A_73 = arith.constant 0 : i32
    %dma_wait3A_74 = tpu.memref_slice %arg5[%dma_wait3A_69, %dma_wait3A_73] : memref<4x128xi32, #tpu.memory_space<vmem>> -> memref<1x128xi32, #tpu.memory_space<vmem>>
    %dma_wait3A_75 = tpu.memref_squeeze %dma_wait3A_74 : memref<1x128xi32, #tpu.memory_space<vmem>> -> memref<128xi32, #tpu.memory_space<vmem>>
    %dma_wait3A_76 = arith.constant 0 : i32
    %dma_wait3A_77 = arith.constant 0 : i32
    %dma_wait3A_78 = tpu.memref_slice %arg3[%dma_wait3A_76, %dma_wait3A_77] : memref<500736x128xf32, #tpu.memory_space<hbm>> -> memref<500736x128xf32, #tpu.memory_space<hbm>>
    tpu.wait_indirect_dma semaphore(%arg7 : memref<!tpu.dma_semaphore, #tpu.memory_space<semaphore_mem>>) src(%dma_wait3A_78 : memref<500736x128xf32, #tpu.memory_space<hbm>>) dst(%dma_wait3A_72 : memref<128x128xf32, #tpu.memory_space<vmem>>)
    %mul3A_79 = arith.constant 512 : i32
    %mul3A_80 = arith.muli %add3A, %mul3A_79 : i32
    %dma_start3A_81 = arith.constant 0 : i32
    %dma_start3A_82 = tpu.memref_slice %arg4[%mul3A_80, %dma_start3A_81] : memref<16384x128xf32, #tpu.memory_space<hbm>> -> memref<512x128xf32, #tpu.memory_space<hbm>>
    %dma_start3A_83 = arith.constant 0 : i32
    %dma_start3A_84 = tpu.memref_slice %arg4[%mul3A_80, %dma_start3A_83] : memref<16384x128xf32, #tpu.memory_space<hbm>> -> memref<512x128xf32, #tpu.memory_space<hbm>>
    tpu.enqueue_dma source(%arg6 : memref<512x128xf32, #tpu.memory_space<vmem>>) target(%dma_start3A_84 : memref<512x128xf32, #tpu.memory_space<hbm>>) target_semaphore(%arg8 : memref<!tpu.dma_semaphore, #tpu.memory_space<semaphore_mem>>)
    %dma_wait3A_85 = arith.constant 0 : i32
    %dma_wait3A_86 = tpu.memref_slice %arg4[%mul3A_80, %dma_wait3A_85] : memref<16384x128xf32, #tpu.memory_space<hbm>> -> memref<512x128xf32, #tpu.memory_space<hbm>>
    %dma_wait3A_87 = arith.constant 0 : i32
    %dma_wait3A_88 = tpu.memref_slice %arg4[%mul3A_80, %dma_wait3A_87] : memref<16384x128xf32, #tpu.memory_space<hbm>> -> memref<512x128xf32, #tpu.memory_space<hbm>>
    tpu.wait_dma2 semaphore(%arg8 : memref<!tpu.dma_semaphore, #tpu.memory_space<semaphore_mem>>) src(%arg6 : memref<512x128xf32, #tpu.memory_space<vmem>>) dst(%dma_wait3A_88 : memref<512x128xf32, #tpu.memory_space<hbm>>)
    return
  }
}

module attributes {stable_mosaic.version = 14 : i64} {
  func.func @_tc_body(%arg0: i32, %arg1: memref<2048x128xf32, #tpu.memory_space<vmem>>, %arg2: memref<2048x128xf32, #tpu.memory_space<vmem>>, %arg3: memref<2048x128xf32, #tpu.memory_space<vmem>>, %arg4: memref<2048x1xf32, #tpu.memory_space<vmem>>, %arg5: memref<2048x1xf32, #tpu.memory_space<vmem>>, %arg6: memref<2048x1xf32, #tpu.memory_space<vmem>>, %arg7: memref<1x1xf32, #tpu.memory_space<vmem>>, %arg8: memref<1x1xf32, #tpu.memory_space<vmem>>, %arg9: memref<1x1xf32, #tpu.memory_space<vmem>>) attributes {dimension_semantics = [#tpu.dimension_semantics<arbitrary>], iteration_bounds = array<i64: 8>, scalar_prefetch = 0 : i64, scratch_operands = 0 : i64, tpu.core_type = #tpu.core_type<tc>, window_params = [{transform_indices = @transform_0, window_bounds = array<i64: 2048, 128>}, {transform_indices = @transform_1, window_bounds = array<i64: 2048, 128>}, {transform_indices = @transform_2, window_bounds = array<i64: 2048, 128>}, {transform_indices = @transform_3, window_bounds = array<i64: 2048, 1>}, {transform_indices = @transform_4, window_bounds = array<i64: 2048, 1>}, {transform_indices = @transform_5, window_bounds = array<i64: 2048, 1>}, {pipeline_mode = #tpu.pipeline_mode<synchronous>, transform_indices = @transform_6, window_bounds = array<i64: 1, 1>}, {pipeline_mode = #tpu.pipeline_mode<synchronous>, transform_indices = @transform_7, window_bounds = array<i64: 1, 1>}, {pipeline_mode = #tpu.pipeline_mode<synchronous>, transform_indices = @transform_8, window_bounds = array<i64: 1, 1>}]} {
    %get3A = arith.constant 0 : index
    %get3A_0 = arith.constant 0 : index
    %get3A_1 = vector.load %arg1[%get3A, %get3A_0] : memref<2048x128xf32, #tpu.memory_space<vmem>>, vector<2048x128xf32>
    %get3A_2 = arith.constant 0 : index
    %get3A_3 = arith.constant 0 : index
    %get3A_4 = vector.load %arg4[%get3A_2, %get3A_3] : memref<2048x1xf32, #tpu.memory_space<vmem>>, vector<2048x1xf32>
    %gt3A = arith.constant 0.000000e+00 : f32
    %gt3A_5 = vector.broadcast %gt3A : f32 to vector<2048x1xf32>
    %gt3A_6 = arith.cmpf ogt, %get3A_4, %gt3A_5 : vector<2048x1xf32>
    %slice3A = vector.extract_strided_slice %get3A_1 {offsets = [0, 64], sizes = [2048, 64], strides = [1, 1]} : vector<2048x128xf32> to vector<2048x64xf32>
    %slice3A_7 = vector.extract_strided_slice %get3A_1 {offsets = [0, 0], sizes = [2048, 64], strides = [1, 1]} : vector<2048x128xf32> to vector<2048x64xf32>
    %broadcast_in_dim3A = vector.shape_cast %gt3A_6 : vector<2048x1xi1> to vector<2048x1xi1>
    %broadcast_in_dim3A_8 = vector.broadcast %broadcast_in_dim3A : vector<2048x1xi1> to vector<2048x64xi1>
    %select_n3A = arith.select %broadcast_in_dim3A_8, %slice3A, %slice3A_7 : vector<2048x64xi1>, vector<2048x64xf32>
    %get3A_9 = arith.constant 0 : index
    %get3A_10 = arith.constant 0 : index
    %get3A_11 = vector.load %arg2[%get3A_9, %get3A_10] : memref<2048x128xf32, #tpu.memory_space<vmem>>, vector<2048x128xf32>
    %get3A_12 = arith.constant 0 : index
    %get3A_13 = arith.constant 0 : index
    %get3A_14 = vector.load %arg5[%get3A_12, %get3A_13] : memref<2048x1xf32, #tpu.memory_space<vmem>>, vector<2048x1xf32>
    %gt3A_15 = arith.constant 0.000000e+00 : f32
    %gt3A_16 = vector.broadcast %gt3A_15 : f32 to vector<2048x1xf32>
    %gt3A_17 = arith.cmpf ogt, %get3A_14, %gt3A_16 : vector<2048x1xf32>
    %slice3A_18 = vector.extract_strided_slice %get3A_11 {offsets = [0, 64], sizes = [2048, 64], strides = [1, 1]} : vector<2048x128xf32> to vector<2048x64xf32>
    %slice3A_19 = vector.extract_strided_slice %get3A_11 {offsets = [0, 0], sizes = [2048, 64], strides = [1, 1]} : vector<2048x128xf32> to vector<2048x64xf32>
    %broadcast_in_dim3A_20 = vector.shape_cast %gt3A_17 : vector<2048x1xi1> to vector<2048x1xi1>
    %broadcast_in_dim3A_21 = vector.broadcast %broadcast_in_dim3A_20 : vector<2048x1xi1> to vector<2048x64xi1>
    %select_n3A_22 = arith.select %broadcast_in_dim3A_21, %slice3A_18, %slice3A_19 : vector<2048x64xi1>, vector<2048x64xf32>
    %get3A_23 = arith.constant 0 : index
    %get3A_24 = arith.constant 0 : index
    %get3A_25 = vector.load %arg3[%get3A_23, %get3A_24] : memref<2048x128xf32, #tpu.memory_space<vmem>>, vector<2048x128xf32>
    %get3A_26 = arith.constant 0 : index
    %get3A_27 = arith.constant 0 : index
    %get3A_28 = vector.load %arg6[%get3A_26, %get3A_27] : memref<2048x1xf32, #tpu.memory_space<vmem>>, vector<2048x1xf32>
    %gt3A_29 = arith.constant 0.000000e+00 : f32
    %gt3A_30 = vector.broadcast %gt3A_29 : f32 to vector<2048x1xf32>
    %gt3A_31 = arith.cmpf ogt, %get3A_28, %gt3A_30 : vector<2048x1xf32>
    %slice3A_32 = vector.extract_strided_slice %get3A_25 {offsets = [0, 64], sizes = [2048, 64], strides = [1, 1]} : vector<2048x128xf32> to vector<2048x64xf32>
    %slice3A_33 = vector.extract_strided_slice %get3A_25 {offsets = [0, 0], sizes = [2048, 64], strides = [1, 1]} : vector<2048x128xf32> to vector<2048x64xf32>
    %broadcast_in_dim3A_34 = vector.shape_cast %gt3A_31 : vector<2048x1xi1> to vector<2048x1xi1>
    %broadcast_in_dim3A_35 = vector.broadcast %broadcast_in_dim3A_34 : vector<2048x1xi1> to vector<2048x64xi1>
    %select_n3A_36 = arith.select %broadcast_in_dim3A_35, %slice3A_32, %slice3A_33 : vector<2048x64xi1>, vector<2048x64xf32>
    %sub3A = arith.subf %select_n3A_22, %select_n3A_36 : vector<2048x64xf32>
    %mul3A = arith.mulf %select_n3A, %sub3A : vector<2048x64xf32>
    %reduce_sum3A = arith.constant dense<0.000000e+00> : vector<2048xf32>
    %reduce_sum3A_37 = vector.multi_reduction <add>, %mul3A, %reduce_sum3A [1] : vector<2048x64xf32> to vector<2048xf32>
    %logistic3A = arith.negf %reduce_sum3A_37 : vector<2048xf32>
    %logistic3A_38 = math.exp %logistic3A : vector<2048xf32>
    %logistic3A_39 = arith.constant 1.000000e+00 : f32
    %logistic3A_40 = vector.broadcast %logistic3A_39 : f32 to vector<2048xf32>
    %logistic3A_41 = arith.addf %logistic3A_40, %logistic3A_38 : vector<2048xf32>
    %logistic3A_42 = arith.divf %logistic3A_40, %logistic3A_41 : vector<2048xf32>
    %log3A = math.log %logistic3A_42 : vector<2048xf32>
    %reduce_sum3A_43 = vector.shape_cast %log3A : vector<2048xf32> to vector<1x2048xf32>
    %reduce_sum3A_44 = arith.constant dense<0.000000e+00> : vector<1xf32>
    %reduce_sum3A_45 = vector.multi_reduction <add>, %reduce_sum3A_43, %reduce_sum3A_44 [1] : vector<1x2048xf32> to vector<1xf32>
    %reduce_sum3A_46 = vector.shape_cast %reduce_sum3A_45 : vector<1xf32> to vector<1x1xf32>
    %reduce_sum3A_47 = vector.extract %reduce_sum3A_46[0, 0] : f32 from vector<1x1xf32>
    %mul3A_48 = arith.mulf %select_n3A, %select_n3A : vector<2048x64xf32>
    %reduce_sum3A_49 = vector.shape_cast %mul3A_48 : vector<2048x64xf32> to vector<1x2048x64xf32>
    %reduce_sum3A_50 = arith.constant dense<0.000000e+00> : vector<1xf32>
    %reduce_sum3A_51 = vector.multi_reduction <add>, %reduce_sum3A_49, %reduce_sum3A_50 [1, 2] : vector<1x2048x64xf32> to vector<1xf32>
    %reduce_sum3A_52 = vector.shape_cast %reduce_sum3A_51 : vector<1xf32> to vector<1x1x1xf32>
    %reduce_sum3A_53 = vector.extract %reduce_sum3A_52[0, 0, 0] : f32 from vector<1x1x1xf32>
    %mul3A_54 = arith.mulf %select_n3A_22, %select_n3A_22 : vector<2048x64xf32>
    %reduce_sum3A_55 = vector.shape_cast %mul3A_54 : vector<2048x64xf32> to vector<1x2048x64xf32>
    %reduce_sum3A_56 = arith.constant dense<0.000000e+00> : vector<1xf32>
    %reduce_sum3A_57 = vector.multi_reduction <add>, %reduce_sum3A_55, %reduce_sum3A_56 [1, 2] : vector<1x2048x64xf32> to vector<1xf32>
    %reduce_sum3A_58 = vector.shape_cast %reduce_sum3A_57 : vector<1xf32> to vector<1x1x1xf32>
    %reduce_sum3A_59 = vector.extract %reduce_sum3A_58[0, 0, 0] : f32 from vector<1x1x1xf32>
    %add3A = arith.addf %reduce_sum3A_53, %reduce_sum3A_59 : f32
    %mul3A_60 = arith.mulf %select_n3A_36, %select_n3A_36 : vector<2048x64xf32>
    %reduce_sum3A_61 = vector.shape_cast %mul3A_60 : vector<2048x64xf32> to vector<1x2048x64xf32>
    %reduce_sum3A_62 = arith.constant dense<0.000000e+00> : vector<1xf32>
    %reduce_sum3A_63 = vector.multi_reduction <add>, %reduce_sum3A_61, %reduce_sum3A_62 [1, 2] : vector<1x2048x64xf32> to vector<1xf32>
    %reduce_sum3A_64 = vector.shape_cast %reduce_sum3A_63 : vector<1xf32> to vector<1x1x1xf32>
    %reduce_sum3A_65 = vector.extract %reduce_sum3A_64[0, 0, 0] : f32 from vector<1x1x1xf32>
    %add3A_66 = arith.addf %add3A, %reduce_sum3A_65 : f32
    %eq3A = arith.constant 0 : i32
    %eq3A_67 = arith.cmpi eq, %arg0, %eq3A : i32
    %convert_element_type3A = arith.extui %eq3A_67 : i1 to i32
    %cond3A = arith.constant 0 : i32
    %cond3A_68 = arith.cmpi ne, %convert_element_type3A, %cond3A : i32
    scf.if %cond3A_68 {
      %broadcast_in_dim3A_89 = arith.constant 0.000000e+00 : f32
      %broadcast_in_dim3A_90 = vector.broadcast %broadcast_in_dim3A_89 : f32 to vector<1x1xf32>
      %swap3A_91 = arith.constant 0 : index
      %swap3A_92 = arith.constant 0 : index
      %swap3A_93 = vector.load %arg8[%swap3A_91, %swap3A_92] : memref<1x1xf32, #tpu.memory_space<vmem>>, vector<1x1xf32>
      tpu.vector_store %arg8[%swap3A_91, %swap3A_92], %broadcast_in_dim3A_90 {strides = array<i32>} : memref<1x1xf32, #tpu.memory_space<vmem>>, vector<1x1xf32>,
      %broadcast_in_dim3A_94 = arith.constant 0.000000e+00 : f32
      %broadcast_in_dim3A_95 = vector.broadcast %broadcast_in_dim3A_94 : f32 to vector<1x1xf32>
      %swap3A_96 = arith.constant 0 : index
      %swap3A_97 = arith.constant 0 : index
      %swap3A_98 = vector.load %arg9[%swap3A_96, %swap3A_97] : memref<1x1xf32, #tpu.memory_space<vmem>>, vector<1x1xf32>
      tpu.vector_store %arg9[%swap3A_96, %swap3A_97], %broadcast_in_dim3A_95 {strides = array<i32>} : memref<1x1xf32, #tpu.memory_space<vmem>>, vector<1x1xf32>,
    } else {
    }
    %get3A_69 = arith.constant 0 : index
    %get3A_70 = arith.constant 0 : index
    %get3A_71 = vector.load %arg8[%get3A_69, %get3A_70] : memref<1x1xf32, #tpu.memory_space<vmem>>, vector<1x1xf32>
    %add3A_72 = vector.broadcast %reduce_sum3A_47 : f32 to vector<1x1xf32>
    %add3A_73 = arith.addf %get3A_71, %add3A_72 : vector<1x1xf32>
    %swap3A = arith.constant 0 : index
    %swap3A_74 = arith.constant 0 : index
    %swap3A_75 = vector.load %arg8[%swap3A, %swap3A_74] : memref<1x1xf32, #tpu.memory_space<vmem>>, vector<1x1xf32>
    tpu.vector_store %arg8[%swap3A, %swap3A_74], %add3A_73 {strides = array<i32>} : memref<1x1xf32, #tpu.memory_space<vmem>>, vector<1x1xf32>,
    %get3A_76 = arith.constant 0 : index
    %get3A_77 = arith.constant 0 : index
    %get3A_78 = vector.load %arg9[%get3A_76, %get3A_77] : memref<1x1xf32, #tpu.memory_space<vmem>>, vector<1x1xf32>
    %add3A_79 = vector.broadcast %add3A_66 : f32 to vector<1x1xf32>
    %add3A_80 = arith.addf %get3A_78, %add3A_79 : vector<1x1xf32>
    %swap3A_81 = arith.constant 0 : index
    %swap3A_82 = arith.constant 0 : index
    %swap3A_83 = vector.load %arg9[%swap3A_81, %swap3A_82] : memref<1x1xf32, #tpu.memory_space<vmem>>, vector<1x1xf32>
    tpu.vector_store %arg9[%swap3A_81, %swap3A_82], %add3A_80 {strides = array<i32>} : memref<1x1xf32, #tpu.memory_space<vmem>>, vector<1x1xf32>,
    %eq3A_84 = arith.constant 7 : i32
    %eq3A_85 = arith.cmpi eq, %arg0, %eq3A_84 : i32
    %convert_element_type3A_86 = arith.extui %eq3A_85 : i1 to i32
    %cond3A_87 = arith.constant 0 : i32
    %cond3A_88 = arith.cmpi ne, %convert_element_type3A_86, %cond3A_87 : i32
    scf.if %cond3A_88 {
      %get3A_89 = arith.constant 0 : index
      %get3A_90 = arith.constant 0 : index
      %get3A_91 = vector.load %arg8[%get3A_89, %get3A_90] : memref<1x1xf32, #tpu.memory_space<vmem>>, vector<1x1xf32>
      %neg3A = arith.constant 0.000000e+00 : f32
      %neg3A_92 = vector.broadcast %neg3A : f32 to vector<1x1xf32>
      %neg3A_93 = arith.subf %neg3A_92, %get3A_91 : vector<1x1xf32>
      %div3A = arith.constant 1.638400e+04 : f32
      %div3A_94 = vector.broadcast %div3A : f32 to vector<1x1xf32>
      %div3A_95 = arith.divf %neg3A_93, %div3A_94 : vector<1x1xf32>
      %get3A_96 = arith.constant 0 : index
      %get3A_97 = arith.constant 0 : index
      %get3A_98 = vector.load %arg9[%get3A_96, %get3A_97] : memref<1x1xf32, #tpu.memory_space<vmem>>, vector<1x1xf32>
      %div3A_99 = arith.constant 1.638400e+04 : f32
      %div3A_100 = vector.broadcast %div3A_99 : f32 to vector<1x1xf32>
      %div3A_101 = arith.divf %get3A_98, %div3A_100 : vector<1x1xf32>
      %mul3A_102 = arith.constant 9.99999974E-5 : f32
      %mul3A_103 = vector.broadcast %mul3A_102 : f32 to vector<1x1xf32>
      %mul3A_104 = arith.mulf %mul3A_103, %div3A_101 : vector<1x1xf32>
      %swap3A_105 = arith.constant 0 : index
      %swap3A_106 = arith.constant 0 : index
      %swap3A_107 = vector.load %arg8[%swap3A_105, %swap3A_106] : memref<1x1xf32, #tpu.memory_space<vmem>>, vector<1x1xf32>
      tpu.vector_store %arg8[%swap3A_105, %swap3A_106], %div3A_95 {strides = array<i32>} : memref<1x1xf32, #tpu.memory_space<vmem>>, vector<1x1xf32>,
      %swap3A_108 = arith.constant 0 : index
      %swap3A_109 = arith.constant 0 : index
      %swap3A_110 = vector.load %arg9[%swap3A_108, %swap3A_109] : memref<1x1xf32, #tpu.memory_space<vmem>>, vector<1x1xf32>
      tpu.vector_store %arg9[%swap3A_108, %swap3A_109], %mul3A_104 {strides = array<i32>} : memref<1x1xf32, #tpu.memory_space<vmem>>, vector<1x1xf32>,
      %add3A_111 = arith.addf %div3A_95, %mul3A_104 : vector<1x1xf32>
      %swap3A_112 = arith.constant 0 : index
      %swap3A_113 = arith.constant 0 : index
      %swap3A_114 = vector.load %arg7[%swap3A_112, %swap3A_113] : memref<1x1xf32, #tpu.memory_space<vmem>>, vector<1x1xf32>
      tpu.vector_store %arg7[%swap3A_112, %swap3A_113], %add3A_111 {strides = array<i32>} : memref<1x1xf32, #tpu.memory_space<vmem>>, vector<1x1xf32>,
    } else {
    }
    return
  }
  func.func @transform_0(%arg0: i32) -> (i32, i32) {
    %c0_i32 = arith.constant 0 : i32
    %c0_i32_0 = arith.constant 0 : i32
    return %arg0, %c0_i32 : i32, i32
  }
  func.func @transform_1(%arg0: i32) -> (i32, i32) {
    %c0_i32 = arith.constant 0 : i32
    %c0_i32_0 = arith.constant 0 : i32
    return %arg0, %c0_i32 : i32, i32
  }
  func.func @transform_2(%arg0: i32) -> (i32, i32) {
    %c0_i32 = arith.constant 0 : i32
    %c0_i32_0 = arith.constant 0 : i32
    return %arg0, %c0_i32 : i32, i32
  }
  func.func @transform_3(%arg0: i32) -> (i32, i32) {
    %c0_i32 = arith.constant 0 : i32
    %c0_i32_0 = arith.constant 0 : i32
    return %arg0, %c0_i32 : i32, i32
  }
  func.func @transform_4(%arg0: i32) -> (i32, i32) {
    %c0_i32 = arith.constant 0 : i32
    %c0_i32_0 = arith.constant 0 : i32
    return %arg0, %c0_i32 : i32, i32
  }
  func.func @transform_5(%arg0: i32) -> (i32, i32) {
    %c0_i32 = arith.constant 0 : i32
    %c0_i32_0 = arith.constant 0 : i32
    return %arg0, %c0_i32 : i32, i32
  }
  func.func @transform_6(%arg0: i32) -> (i32, i32) {
    %c0_i32 = arith.constant 0 : i32
    %c0_i32_0 = arith.constant 0 : i32
    %c0_i32_1 = arith.constant 0 : i32
    return %c0_i32, %c0_i32_0 : i32, i32
  }
  func.func @transform_7(%arg0: i32) -> (i32, i32) {
    %c0_i32 = arith.constant 0 : i32
    %c0_i32_0 = arith.constant 0 : i32
    %c0_i32_1 = arith.constant 0 : i32
    return %c0_i32, %c0_i32_0 : i32, i32
  }
  func.func @transform_8(%arg0: i32) -> (i32, i32) {
    %c0_i32 = arith.constant 0 : i32
    %c0_i32_0 = arith.constant 0 : i32
    %c0_i32_1 = arith.constant 0 : i32
    return %c0_i32, %c0_i32_0 : i32, i32
  }
}

module attributes {stable_mosaic.version = 14 : i64} {
  func.func @_repack_body(%arg0: i32, %arg1: memref<64x2048xf32, #tpu.memory_space<vmem>>, %arg2: memref<1024x128xf32, #tpu.memory_space<vmem>>) attributes {dimension_semantics = [#tpu.dimension_semantics<arbitrary>], iteration_bounds = array<i64: 489>, scalar_prefetch = 0 : i64, scratch_operands = 0 : i64, tpu.core_type = #tpu.core_type<tc>, window_params = [{transform_indices = @transform_0, window_bounds = array<i64: 64, 2048>}, {transform_indices = @transform_1, window_bounds = array<i64: 1024, 128>}]} {
    %get3A = arith.constant 0 : index
    %get3A_0 = arith.constant 0 : index
    %get3A_1 = vector.load %arg1[%get3A, %get3A_0] : memref<64x2048xf32, #tpu.memory_space<vmem>>, vector<64x2048xf32>
    %iota3A = tpu.iota {dimensions = array<i32: 0>} : vector<64x64xi32>
    %iota3A_2 = tpu.iota {dimensions = array<i32: 1>} : vector<64x64xi32>
    %add3A = arith.constant 0 : i32
    %add3A_3 = vector.broadcast %add3A : i32 to vector<64x64xi32>
    %add3A_4 = arith.addi %iota3A, %add3A_3 : vector<64x64xi32>
    %eq3A = arith.cmpi eq, %add3A_4, %iota3A_2 : vector<64x64xi32>
    %convert_element_type3A = arith.extui %eq3A : vector<64x64xi1> to vector<64x64xi32>
    %convert_element_type3A_5 = arith.sitofp %convert_element_type3A : vector<64x64xi32> to vector<64x64xf32>
    %slice3A = vector.extract_strided_slice %get3A_1 {offsets = [0, 0], sizes = [64, 1024], strides = [1, 1]} : vector<64x2048xf32> to vector<64x1024xf32>
    %dot_general3A = arith.constant dense<0.000000e+00> : vector<1024x64xf32>
    %dot_general3A_6 = tpu.matmul %slice3A, %convert_element_type3A_5, %dot_general3A {dimension_numbers = #tpu.dot_dimension_numbers<[0], [0], [1], [1], [0, 1, 1, 1], [], []>, transpose_lhs_hint = false} : vector<64x1024xf32>, vector<64x64xf32>, vector<1024x64xf32> -> vector<1024x64xf32>
    %slice3A_7 = vector.extract_strided_slice %get3A_1 {offsets = [0, 1024], sizes = [64, 1024], strides = [1, 1]} : vector<64x2048xf32> to vector<64x1024xf32>
    %dot_general3A_8 = arith.constant dense<0.000000e+00> : vector<1024x64xf32>
    %dot_general3A_9 = tpu.matmul %slice3A_7, %convert_element_type3A_5, %dot_general3A_8 {dimension_numbers = #tpu.dot_dimension_numbers<[0], [0], [1], [1], [0, 1, 1, 1], [], []>, transpose_lhs_hint = false} : vector<64x1024xf32>, vector<64x64xf32>, vector<1024x64xf32> -> vector<1024x64xf32>
    %concatenate3A = tpu.concatenate %dot_general3A_6, %dot_general3A_9 in 1 : vector<1024x64xf32>, vector<1024x64xf32> -> vector<1024x128xf32>
    %swap3A = arith.constant 0 : index
    %swap3A_10 = arith.constant 0 : index
    %swap3A_11 = vector.load %arg2[%swap3A, %swap3A_10] : memref<1024x128xf32, #tpu.memory_space<vmem>>, vector<1024x128xf32>
    tpu.vector_store %arg2[%swap3A, %swap3A_10], %concatenate3A {strides = array<i32>} : memref<1024x128xf32, #tpu.memory_space<vmem>>, vector<1024x128xf32>,
    return
  }
  func.func @transform_0(%arg0: i32) -> (i32, i32) {
    %c0_i32 = arith.constant 0 : i32
    %c0_i32_0 = arith.constant 0 : i32
    return %c0_i32, %arg0 : i32, i32
  }
  func.func @transform_1(%arg0: i32) -> (i32, i32) {
    %c0_i32 = arith.constant 0 : i32
    %c0_i32_0 = arith.constant 0 : i32
    return %arg0, %c0_i32 : i32, i32
  }
}

</mosaic_0001>

<sc_bundles>
// kernel: kernel.11.cloned.1.call-start
scs
__scs_entry_jumppad:
0x0: {  	(pc) =	sbr.rel $0x88, $3  }
0x1: {  	(tag) =	ssettag $0x0;
	lr =	simm.s32 $0x1  }
0x2: {  	[smem:$0x3F9C] =	sst lr;
	_ =	strace $0xD0000000  }
0x3: {  	_ = 	snop  }
0x4: {  	_ = 	snop  }
0x5: {  	_ = 	snop  }
0x6: {  	_ = 	snop  }
0x7: {  	_ = 	snop  }
__scs_overlays_trampoline_lowered:
0x8: {  	[smem:$0x3FAB] =	sst s0  }
0x9: {  	[smem:$0x3FAC] =	sst s1  }
0xa: {  	[smem:$0x3FAD] =	sst s2  }
0xb: {  	[smem:$0x3FAE] =	sst s3  }
0xc: {  	[smem:$0x3FAF] =	sst s4  }
0xd: {  	[smem:$0x3FB0] =	sst s5  }
0xe: {  	[smem:$0x3FB1] =	sst s6  }
0xf: {  	[smem:$0x3FB2] =	sst s7  }
0x10: {  	[smem:$0x3FB3] =	sst s8  }
0x11: {  	[smem:$0x3FB4] =	sst s9;
	s0 =	simm.s32 @!p0 $0x0  }
0x12: {  	s1 =	sld [smem:$0x3F9A];
	s0 =	simm.s32 @p0 $0x1  }
0x13: {  	[smem:$0x3FB5] =	sst s0;
	s0 =	simm.s32 @!p1 $0x0  }
0x14: {  	s2 =	sld [smem:$0x3F99];
	s0 =	simm.s32 @p1 $0x1  }
0x15: {  	[smem:$0x3FB6] =	sst s0;
	s0 =	simm.s32 @!p2 $0x0  }
0x16: {  	s3 =	sld [smem:$0x3FDB];
	s0 =	simm.s32 @p2 $0x1  }
0x17: {  	s4 =	simm.s32 $0x1BF5;
	[smem:$0x3FB8] =	sst s0  }
0x18: {  	s0 =	sld [smem:$0x3F9B];
	_ =	swait.ge [sflag:s4], $0x0  }
0x19: {  	s7 =	sld [smem:$0x3F9C]  }
0x1a: {  	s8 =	sadd.s32 $0xFFFFE003, lr  }
0x1b: {  	s9 =	sadd.s32 $0xFFFFFEF7, lr;
	s5 =	simm.s32 $0xFFFFFFFF;
	p2 =	slt.u32 s8, $0xFFFFF086  }
0x1c: {  	p1 =	slt.u32 s9, $0xF7A;
	s5 =	simm.s32 @!p2 $0x0  }
0x1d: {  	s5 =	simm.s32 @p1 $0x1;
	p0 =	seq.s32 s7, s2  }
0x1e: {  	s7 =	smul.u32 @!p0 $0xF7A, s2;
	p2 =	seq.s32 @!p0 s5, $0x0  }
0x1f: {  	s9 =	smul.u32 $0xF7A, s1;
	s8 =	simm.s32 @!p0 $0x1BF5;
	p2 =	por !p2, p0  }
0x20: {  	[sflag:s8] =	ssyncset.s32 @!p0 $0xFFFFF086;
	s6 =	sadd.s32 @!p0 s3, s7;
	s7 =	simm.s32 @!p0 $0x108  }
0x21: {  	s3 =	sadd.s32 s3, s9;
	s6 =	sadd.s32 @!p0 $0x88, s6;
	s7 =	simm.s32 @p2 $0x1082  }
0x22: {  	[simem:s7], [sflag:s8] =	dma.local @!p0 [hbm:s6], $0xF7A  }
0x23: {  	s9 =	sor.u32 $0xD0000000, s2;
	s6 =	simm.s32 $0x108;
	_ =	swait.ge @!p0 [sflag:s8], $0x0  }
0x24: {  	s3 =	sadd.s32 $0x88, s3;
	s6 =	simm.s32 @!p1 $0x1082;
	[sflag:s4] =	ssyncset.s32 $0xFFFFF086  }
0x25: {  	[simem:s6], [sflag:s4] =	dma.local [hbm:s3], $0xF7A  }
0x26: {  	[smem:$0x3F9C] =	sst s1;
	(tag) =	ssettag s2;
	_ =	strace s9  }
0x27: {  	s1 =	sld [smem:$0x3FAC]  }
0x28: {  	s2 =	sld [smem:$0x3FAD]  }
0x29: {  	s4 =	sld [smem:$0x3FAF]  }
0x2a: {  	p0 =	seq.s32 s5, $0x0;
	s5 =	sld [smem:$0x3FB0]  }
0x2b: {  	s6 =	sld [smem:$0x3FB1]  }
0x2c: {  	s7 =	sld [smem:$0x3FB2]  }
0x2d: {  	s3 =	simm.s32 $0x108;
	s8 =	sld [smem:$0x3FB3]  }
0x2e: {  	s3 =	simm.s32 @!p0 $0x1082;
	s9 =	sld [smem:$0x3FB4]  }
0x2f: {  	lr =	sadd.s32 s0, s3;
	s0 =	sld [smem:$0x3FAB]  }
0x30: {  	s3 =	sld [smem:$0x3FAE]  }
0x31: {  	[smem:$0x3FB7] =	sst s10  }
0x32: {  	s10 =	sld [smem:$0x3FB5];
	_ =	sdelay $0x3  }
0x33: {  	p0 =	seq.s32 s10, $0x1;
	s10 =	sld [smem:$0x3FB7];
	_ =	sdelay $0x3  }
0x34: {  	[smem:$0x3FB7] =	sst s10  }
0x35: {  	s10 =	sld [smem:$0x3FB6];
	_ =	sdelay $0x3  }
0x36: {  	p1 =	seq.s32 s10, $0x1;
	s10 =	sld [smem:$0x3FB7];
	_ =	sdelay $0x3  }
0x37: {  	[smem:$0x3FB7] =	sst s10  }
0x38: {  	s10 =	sld [smem:$0x3FB8]  }
0x39: {  	_ = 	snop;
	(pc) =	sbr.ind lr, $3  }
0x3a: {  	_ = 	snop  }
0x3b: {  	_ = 	snop  }
0x3c: {  	p2 =	seq.s32 s10, $0x1;
	s10 =	sld [smem:$0x3FB7]  }
0x3d: {  	_ =	shalt  }
0x3e: {  	_ =	shalt  }
0x3f: {  	_ =	shalt  }
0x40: {  	_ =	shalt  }
0x41: {  	_ =	shalt  }
0x42: {  	_ =	shalt  }
0x43: {  	_ =	shalt  }
0x44: {  	_ =	shalt  }
0x45: {  	_ =	shalt  }
0x46: {  	_ =	shalt  }
0x47: {  	_ =	shalt  }
0x48: {  	_ =	shalt  }
0x49: {  	_ =	shalt  }
0x4a: {  	_ =	shalt  }
0x4b: {  	_ =	shalt  }
0x4c: {  	_ =	shalt  }
0x4d: {  	_ =	shalt  }
0x4e: {  	_ =	shalt  }
0x4f: {  	_ =	shalt  }
0x50: {  	_ =	shalt  }
0x51: {  	_ =	shalt  }
0x52: {  	_ =	shalt  }
0x53: {  	_ =	shalt  }
0x54: {  	_ =	shalt  }
0x55: {  	_ =	shalt  }
0x56: {  	_ =	shalt  }
0x57: {  	_ =	shalt  }
0x58: {  	_ =	shalt  }
0x59: {  	_ =	shalt  }
0x5a: {  	_ =	shalt  }
0x5b: {  	_ =	shalt  }
0x5c: {  	_ =	shalt  }
0x5d: {  	_ =	shalt  }
0x5e: {  	_ =	shalt  }
0x5f: {  	_ =	shalt  }
0x60: {  	_ =	shalt  }
0x61: {  	_ =	shalt  }
0x62: {  	_ =	shalt  }
0x63: {  	_ =	shalt  }
0x64: {  	_ =	shalt  }
0x65: {  	_ =	shalt  }
0x66: {  	_ =	shalt  }
0x67: {  	_ =	shalt  }
0x68: {  	_ =	shalt  }
0x69: {  	_ =	shalt  }
0x6a: {  	_ =	shalt  }
0x6b: {  	_ =	shalt  }
0x6c: {  	_ =	shalt  }
0x6d: {  	_ =	shalt  }
0x6e: {  	_ =	shalt  }
0x6f: {  	_ =	shalt  }
0x70: {  	_ =	shalt  }
0x71: {  	_ =	shalt  }
0x72: {  	_ =	shalt  }
0x73: {  	_ =	shalt  }
0x74: {  	_ =	shalt  }
0x75: {  	_ =	shalt  }
0x76: {  	_ =	shalt  }
0x77: {  	_ =	shalt  }
0x78: {  	_ =	shalt  }
0x79: {  	_ =	shalt  }
0x7a: {  	_ =	shalt  }
0x7b: {  	_ =	shalt  }
0x7c: {  	_ =	shalt  }
0x7d: {  	_ =	shalt  }
0x7e: {  	_ =	shalt  }
0x7f: {  	_ =	shalt  }
0x80: {  	_ =	shalt  }
0x81: {  	_ =	shalt  }
0x82: {  	_ =	shalt  }
0x83: {  	_ =	shalt  }
0x84: {  	_ =	shalt  }
0x85: {  	_ =	shalt  }
0x86: {  	_ =	shalt  }
0x87: {  	_ =	shalt  }
.Lfunc_end0:
.L_simem_size_0:
called_computation.1_lowered:
.L_overlay_start_0:
0x88: {  	s2 =	sld [smem:$0x3FD9]  }
0x89: {  	s3 =	sld [smem:$0x3FFE];
	_ =	sdelay $0x1  }
0x8a: {  	s1 =	srdreg.scid  }
0x8b: {  	s0 =	sand.u32 $0x1, s1  }
0x8c: {  	s16 =	sshll.u32 s0, $0xA;
	s2 =	sadd.s32 s3, s2  }
0x8d: {  	s2 =	sadd.s32 s2, s16  }
0x8e: {  	[smem:$0x3FC3] =	sst s2  }
0x8f: {  	_ = 	snop  }
0x90: {  	(tm) =	ssettm $0x1  }
0x91: {  	s17 =	sld [smem:$0x3FFB];
	_ =	sdelay $0x3  }
0x92: {  	_ =	strace s17  }
0x93: {  	s2 =	sld [smem:$0x3FFC];
	_ =	sdelay $0x3  }
0x94: {  	_ =	strace s2  }
0x95: {  	s2 =	sld [smem:$0x3FFD];
	_ =	sdelay $0x3  }
0x96: {  	_ =	strace s2  }
0x97: {  	_ =	strace $0x8FFFFFFF  }
0x98: {  	s18 =	sld [smem:$0x3FDB];
	_ =	sdelay $0x1  }
0x99: {  	s19 =	simm.s32 $_scs_section_size  }
0x9a: {  	s4 =	simm.s32 $_size__tile_overlayer_lowered;
	s5 =	simm.s32 $_tile_overlayer_lowered  }
0x9b: {  	s22 =	simm.s32 $0x1BFF;
	s21 =	sshll.u32 s5, $0x1;
	s2 =	sadd.s32 s19, s18  }
0x9c: {  	s6 =	simm.s32 $0x0;
	s20 =	sshll.u32 s4, $0x1;
	s4 =	sadd.s32 s21, s2  }
0x9d: {  	[timem:s6], [sflag:s22] =	dma.local [hbm:s4], s20  }
0x9e: {  	_ =	swait.ge [sflag:s22], s20  }
0x9f: {  	s3 =	ssub.s32 $0x0, s20;
	[sflag:s22] =	ssyncset.done $0x0  }
0xa0: {  	[sflag:s22] =	ssyncadd.s32 s3;
	_ =	sdelay $0x1  }
0xa1: {  	s23 =	simm.s32 $0x1B8B  }
0xa2: {  	_ =	swait.ge [sflag:s23], $0x1  }
0xa3: {  	[sflag:s23] =	ssyncset.done $0x0  }
0xa4: {  	s25 =	simm.s32 $0x1B8E;
	s24 =	sld [smem:$0x3FFE];
	[sflag:s23] =	ssyncadd.s32 $0xFFFFFFFF  }
0xa5: {  	s26 =	simm.s32 $execute0_lowered;
	[smem:$0x3FD2] =	sst s25  }
0xa6: {  	s4 =	sshll.u32 s26, $0x1;
	_ =	strace $0x80000046;
	[dreg:$0x1] =	wrdreg $0xFFFFFFFF  }
0xa7: {  	s28 =	simm.s32 $_size_execute0_lowered;
	s2 =	sadd.s32 s2, s4;
	[dreg:$0x0] =	wrdreg $0x0  }
0xa8: {  	s4 =	sshll.u32 s28, $0x1;
	[dreg:$0x2] =	wrdreg s2  }
0xa9: {  	[dreg:$0x3] =	wrdreg s4  }
0xaa: {  	[dreg:$0x4] =	wrdreg $0xC0  }
0xab: {  	_ =	task [dreg:s6], $0x5FFFF  }
0xac: {  	[dreg:$0x1] =	wrdreg $0xFFFFFFFF  }
0xad: {  	[dreg:$0x0] =	wrdreg $0x60  }
0xae: {  	[dreg:$0x2] =	wrdreg s24  }
0xaf: {  	[dreg:$0x3] =	wrdreg $0xA  }
0xb0: {  	_ =	task.clear_ibuf [dreg:s6], $0x4FFFF;
	_ =	strace $0x90000046  }
0xb1: {  	s29 =	simm.s32 $0xA;
	_ =	strace $0x80000048  }
0xb2: {  	_ =	swait.ge [sflag:s29], $0x1  }
0xb3: {  	[sflag:s29] =	ssyncadd.s32 $0xFFFFFFFF  }
0xb4: {  	_ =	strace $0x90000048  }
0xb5: {  	_ =	sfence  }
0xb6: {  	s30 =	sld [smem:$0x0];
	_ =	sdelay $0x2  }
0xb7: {  	s31 =	sshll.u32 s1, $0xD;
	s1 =	sshrl.u32 s1, $0x2  }
0xb8: {  	s3 =	sand.u32 $0x4000, s31;
	s1 =	sadd.s32 s1, s30  }
0xb9: {  	s0 =	sor.u32 s3, s0;
	s1 =	sshll.u32 s1, $0x11  }
0xba: {  	s0 =	sor.u32 s1, s0  }
0xbb: {  	s0 =	sadd.s32 $0x8F2B, s0  }
0xbc: {  	[sflag:s0] =	ssyncadd.remote.s32 $0x1  }
0xbd: {  	_ =	sfence.sel $0xFFFF  }
0xbe: {  	[dreg:$0x0] =	wrdreg $0xFFFFFFFF;
	(pc) =	sbr.abs _section_cstart, $3  }
0xbf: {  	[dreg:$0x1] =	wrdreg $0xFFFFFFFF  }
0xc0: {  	_ =	task.clear_ibuf [dreg:s6], $0x2FFFF;
	_ =	strace $0x9FFFFFFF  }
0xc1: {  	(tm) =	ssettm $0x7FFFFFFF  }
tec
execute0_lowered:
.L_overlay_start_1:
0x0: {  	(tag) =	ssettag $0x1  }
0x1: {  	s1 =	srdreg.scid  }
0x2: {  	s0 =	stileid.u32;
	s14 =	sand.u32 $0x1, s1  }
0x3: {  	s30 =	sshll.u32 s0, $0xA;
	s2 =	sshll.u32 s14, $0x9  }
0x4: {  	s16 =	sor.u32 s2, s30  }
0x5: {  	s15 =	rddreg [dreg:$0x0];
	s2 =	simm.s32 $0x0;
	s3 =	sshrl.u32 s16, $0x3  }
0x6: {  	s4 =	simm.s32 $0x3;
	[smem:$0x7FF] =	sst s2;
	s3 =	sadd.s32 s3, s15  }
0x7: {  	s1 =	rddreg [dreg:$0x1];
	_ =	strace $0x80000047;
	s3 =	sadd.s32 $0x7A6C00, s3  }
0x8: {  	[tilespmem:s2], [sflag:$0x3] =	stream.linear.gather [hbm4b:s3+s2], $0x200, $0x38;
	[tilespmem:$0x10200] =	vst v63  }
0x9: {  	_ =	swait.ge [sflag:s4], $0x200  }
0xa: {  	s6 =	simm.s32 $0x80;
	[sflag:s4] =	ssyncset.done $0x0  }
0xb: {  	s7 =	simm.s32 $0x200;
	s5 =	sadd.s32 $0x2400, s15;
	[sflag:s4] =	ssyncadd.s32 $0xFFFFFE00  }
0xc: {  	[tilespmem:s7], [sflag:$0x1] =	stream.indirect.gather [hbm4b:s5+s6], $0x80, s2, s6, $0xb8;
	[tilespmem:$0x10200] =	vst v63  }
0xd: {  	s8 =	simm.s32 $0x4200  }
0xe: {  	[tilespmem:s8], [sflag:$0x1] =	stream.indirect.gather [hbm4b:s5+s6], $0x80, s6, s6, $0xb8;
	[tilespmem:$0x10200] =	vst v63  }
0xf: {  	s9 =	simm.s32 $0x100;
	s10 =	simm.s32 $0x8200  }
0x10: {  	[tilespmem:s10], [sflag:$0x1] =	stream.indirect.gather [hbm4b:s5+s6], $0x80, s9, s6, $0xb8;
	[tilespmem:$0x10200] =	vst v63  }
0x11: {  	s11 =	simm.s32 $0x180;
	s12 =	simm.s32 $0xC200;
	s13 =	simm.s32 $0x1  }
0x12: {  	[tilespmem:s12], [sflag:$0x1] =	stream.indirect.gather [hbm4b:s5+s6], $0x80, s11, s6, $0xb8;
	[tilespmem:$0x10200] =	vst v63  }
0x13: {  	_ =	swait.ge [sflag:s13], $0x4000  }
0x14: {  	[sflag:s13] =	ssyncset.done $0x0  }
0x15: {  	[sflag:s13] =	ssyncadd.s32 $0xFFFFC000  }
0x16: {  	_ =	swait.ge [sflag:s13], $0x4000  }
0x17: {  	[sflag:s13] =	ssyncset.done $0x0  }
0x18: {  	s14 =	ssub.s32 $0x2, s14;
	[sflag:s13] =	ssyncadd.s32 $0xFFFFC000  }
0x19: {  	s31 =	sshrl.u32 s14, $0x1;
	s16 =	sshll.u32 s16, $0x4;
	_ =	swait.ge [sflag:s13], $0x4000  }
0x1a: {  	s15 =	sadd.s32 s16, s15;
	s16 =	ssub.s32 s14, s31;
	[sflag:s13] =	ssyncset.done $0x0  }
0x1b: {  	s16 =	smax.u32 s16, $0x1;
	[sflag:s13] =	ssyncadd.s32 $0xFFFFC000  }
0x1c: {  	p0 =	sne.s32 s16, $0x1;
	_ =	swait.ge [sflag:s13], $0x4000  }
.Ltmp0:
0x1d: {  	[sflag:s13] =	ssyncset.done $0x0;
	(pc) =	sbr.rel @!p0 .LBB2_2-.Ltmp0, $4  }
0x1e: {  	s14 =	sadd.s32 $0x7A7400, s15;
	s15 =	simm.s32 $0x2;
	[sflag:s13] =	ssyncadd.s32 $0xFFFFC000  }
0x1f: {  	[hbm4b:s14+s2] =	stream.linear.scatter [tilespmem:s7], [sflag:$0x2], $0x10000, $0x38;
	[tilespmem:$0x10200] =	vst v63  }
0x20: {  	_ =	swait.ge [sflag:s15], $0x10000  }
0x21: {  	s16 =	sadd.s32 $0xFFFFFFFF, s16;
	[sflag:s15] =	ssyncset.done $0x0  }
.LBB2_1:
0x22: {  	p0 =	sne.s32 s16, $0x1;
	s16 =	sadd.s32 $0xFFFFFFFF, s16;
	[sflag:s15] =	ssyncadd.s32 $0xFFFF0000  }
0x23: {  	[tilespmem:s2], [sflag:$0x3] =	stream.linear.gather [hbm4b:s3+s2], $0x200, $0x38;
	[tilespmem:$0x10200] =	vst v63  }
0x24: {  	_ =	swait.ge [sflag:s4], $0x200  }
0x25: {  	[sflag:s4] =	ssyncset.done $0x0  }
0x26: {  	[sflag:s4] =	ssyncadd.s32 $0xFFFFFE00  }
0x27: {  	[tilespmem:s7], [sflag:$0x1] =	stream.indirect.gather [hbm4b:s5+s6], $0x80, s2, s6, $0xb8;
	[tilespmem:$0x10200] =	vst v63  }
0x28: {  	_ = 	snop  }
0x29: {  	[tilespmem:s8], [sflag:$0x1] =	stream.indirect.gather [hbm4b:s5+s6], $0x80, s6, s6, $0xb8;
	[tilespmem:$0x10200] =	vst v63  }
0x2a: {  	_ = 	snop  }
0x2b: {  	[tilespmem:s10], [sflag:$0x1] =	stream.indirect.gather [hbm4b:s5+s6], $0x80, s9, s6, $0xb8;
	[tilespmem:$0x10200] =	vst v63  }
0x2c: {  	_ = 	snop  }
0x2d: {  	[tilespmem:s12], [sflag:$0x1] =	stream.indirect.gather [hbm4b:s5+s6], $0x80, s11, s6, $0xb8;
	[tilespmem:$0x10200] =	vst v63  }
0x2e: {  	_ =	swait.ge [sflag:s13], $0x4000  }
0x2f: {  	[sflag:s13] =	ssyncset.done $0x0  }
0x30: {  	[sflag:s13] =	ssyncadd.s32 $0xFFFFC000  }
0x31: {  	_ =	swait.ge [sflag:s13], $0x4000  }
0x32: {  	[sflag:s13] =	ssyncset.done $0x0  }
0x33: {  	[sflag:s13] =	ssyncadd.s32 $0xFFFFC000  }
0x34: {  	_ =	swait.ge [sflag:s13], $0x4000  }
0x35: {  	[sflag:s13] =	ssyncset.done $0x0  }
0x36: {  	[sflag:s13] =	ssyncadd.s32 $0xFFFFC000  }
0x37: {  	_ =	swait.ge [sflag:s13], $0x4000  }
.Ltmp1:
0x38: {  	[sflag:s13] =	ssyncset.done $0x0;
	(pc) =	sbr.rel @p0 .LBB2_1-.Ltmp1, $4  }
0x39: {  	[sflag:s13] =	ssyncadd.s32 $0xFFFFC000  }
0x3a: {  	[hbm4b:s14+s2] =	stream.linear.scatter [tilespmem:s7], [sflag:$0x2], $0x10000, $0x38;
	[tilespmem:$0x10200] =	vst v63  }
0x3b: {  	_ =	swait.ge [sflag:s15], $0x10000  }
0x3c: {  	[sflag:s15] =	ssyncset.done $0x0  }
.LBB2_2:
0x3d: {  	[sflag:s15] =	ssyncadd.s32 $0xFFFF0000  }
0x3e: {  	_ =	sfence.sel $0x180000  }
0x3f: {  	[bflag:$0x0] =	sbarrier.arrive $0xFFFF  }
0x40: {  	p0 =	sne.s32 s0, $0x0;
	_ =	strace $0x90000047  }
0x41: {  	s0 =	sadd.s32 @!p0 $0x100000, s1;
	[bflag:$0x2] =	sbarrier.arrive $0xFFFF  }
0x42: {  	[sflag:s0] =	ssyncadd.tile.s32 @!p0 $0x1;
	_ =	shalt  }
.Lfunc_end2:
_tile_overlayer_lowered:
.L_overlay_start_2:
0x43: {  	(tag) =	ssettag $0x2  }
0x44: {  	s0 =	rddreg [dreg:$0x0];
	s2 =	stileid.u32  }
0x45: {  	s1 =	rddreg [dreg:$0x1];
	p0 =	sne.s32 s2, $0x0  }
0x46: {  	s3 =	rddreg [dreg:$0x2];
	[bflag:$0x3] =	sbarrier.arrive $0xFFFF;
	s2 =	simm.s32 @!p0 $0x1C03  }
0x47: {  	[timem:s3], [sflag:s2] =	dma.local @!p0 [hbm:s0], s1  }
0x48: {  	s0 =	simm.s32 @!p0 $0x3  }
0x49: {  	_ =	swait.ge @!p0 [sflag:s0], s1  }
0x4a: {  	s1 =	ssub.s32 @!p0 $0x0, s1;
	[sflag:s0] =	ssyncset.done @!p0 $0x0  }
0x4b: {  	[sflag:s0] =	ssyncadd.s32 @!p0 s1  }
0x4c: {  	[bflag:$0x3] =	sbarrier.arrive $0xFFFF  }
0x4d: {  	_ =	shalt  }

// kernel: kernel.14.cloned.1.call-start
scs
__scs_entry_jumppad:
0x0: {  	(pc) =	sbr.rel $0x88, $3  }
0x1: {  	(tag) =	ssettag $0x0;
	lr =	simm.s32 $0x1  }
0x2: {  	[smem:$0x3F9C] =	sst lr;
	_ =	strace $0xD0000000  }
0x3: {  	_ = 	snop  }
0x4: {  	_ = 	snop  }
0x5: {  	_ = 	snop  }
0x6: {  	_ = 	snop  }
0x7: {  	_ = 	snop  }
__scs_overlays_trampoline_lowered:
0x8: {  	[smem:$0x3FAB] =	sst s0  }
0x9: {  	[smem:$0x3FAC] =	sst s1  }
0xa: {  	[smem:$0x3FAD] =	sst s2  }
0xb: {  	[smem:$0x3FAE] =	sst s3  }
0xc: {  	[smem:$0x3FAF] =	sst s4  }
0xd: {  	[smem:$0x3FB0] =	sst s5  }
0xe: {  	[smem:$0x3FB1] =	sst s6  }
0xf: {  	[smem:$0x3FB2] =	sst s7  }
0x10: {  	[smem:$0x3FB3] =	sst s8  }
0x11: {  	[smem:$0x3FB4] =	sst s9;
	s0 =	simm.s32 @!p0 $0x0  }
0x12: {  	s1 =	sld [smem:$0x3F9A];
	s0 =	simm.s32 @p0 $0x1  }
0x13: {  	[smem:$0x3FB5] =	sst s0;
	s0 =	simm.s32 @!p1 $0x0  }
0x14: {  	s2 =	sld [smem:$0x3F99];
	s0 =	simm.s32 @p1 $0x1  }
0x15: {  	[smem:$0x3FB6] =	sst s0;
	s0 =	simm.s32 @!p2 $0x0  }
0x16: {  	s3 =	sld [smem:$0x3FDB];
	s0 =	simm.s32 @p2 $0x1  }
0x17: {  	s4 =	simm.s32 $0x1BF5;
	[smem:$0x3FB8] =	sst s0  }
0x18: {  	s0 =	sld [smem:$0x3F9B];
	_ =	swait.ge [sflag:s4], $0x0  }
0x19: {  	s7 =	sld [smem:$0x3F9C]  }
0x1a: {  	s8 =	sadd.s32 $0xFFFFE003, lr  }
0x1b: {  	s9 =	sadd.s32 $0xFFFFFEF7, lr;
	s5 =	simm.s32 $0xFFFFFFFF;
	p2 =	slt.u32 s8, $0xFFFFF086  }
0x1c: {  	p1 =	slt.u32 s9, $0xF7A;
	s5 =	simm.s32 @!p2 $0x0  }
0x1d: {  	s5 =	simm.s32 @p1 $0x1;
	p0 =	seq.s32 s7, s2  }
0x1e: {  	s7 =	smul.u32 @!p0 $0xF7A, s2;
	p2 =	seq.s32 @!p0 s5, $0x0  }
0x1f: {  	s9 =	smul.u32 $0xF7A, s1;
	s8 =	simm.s32 @!p0 $0x1BF5;
	p2 =	por !p2, p0  }
0x20: {  	[sflag:s8] =	ssyncset.s32 @!p0 $0xFFFFF086;
	s6 =	sadd.s32 @!p0 s3, s7;
	s7 =	simm.s32 @!p0 $0x108  }
0x21: {  	s3 =	sadd.s32 s3, s9;
	s6 =	sadd.s32 @!p0 $0x88, s6;
	s7 =	simm.s32 @p2 $0x1082  }
0x22: {  	[simem:s7], [sflag:s8] =	dma.local @!p0 [hbm:s6], $0xF7A  }
0x23: {  	s9 =	sor.u32 $0xD0000000, s2;
	s6 =	simm.s32 $0x108;
	_ =	swait.ge @!p0 [sflag:s8], $0x0  }
0x24: {  	s3 =	sadd.s32 $0x88, s3;
	s6 =	simm.s32 @!p1 $0x1082;
	[sflag:s4] =	ssyncset.s32 $0xFFFFF086  }
0x25: {  	[simem:s6], [sflag:s4] =	dma.local [hbm:s3], $0xF7A  }
0x26: {  	[smem:$0x3F9C] =	sst s1;
	(tag) =	ssettag s2;
	_ =	strace s9  }
0x27: {  	s1 =	sld [smem:$0x3FAC]  }
0x28: {  	s2 =	sld [smem:$0x3FAD]  }
0x29: {  	s4 =	sld [smem:$0x3FAF]  }
0x2a: {  	p0 =	seq.s32 s5, $0x0;
	s5 =	sld [smem:$0x3FB0]  }
0x2b: {  	s6 =	sld [smem:$0x3FB1]  }
0x2c: {  	s7 =	sld [smem:$0x3FB2]  }
0x2d: {  	s3 =	simm.s32 $0x108;
	s8 =	sld [smem:$0x3FB3]  }
0x2e: {  	s3 =	simm.s32 @!p0 $0x1082;
	s9 =	sld [smem:$0x3FB4]  }
0x2f: {  	lr =	sadd.s32 s0, s3;
	s0 =	sld [smem:$0x3FAB]  }
0x30: {  	s3 =	sld [smem:$0x3FAE]  }
0x31: {  	[smem:$0x3FB7] =	sst s10  }
0x32: {  	s10 =	sld [smem:$0x3FB5];
	_ =	sdelay $0x3  }
0x33: {  	p0 =	seq.s32 s10, $0x1;
	s10 =	sld [smem:$0x3FB7];
	_ =	sdelay $0x3  }
0x34: {  	[smem:$0x3FB7] =	sst s10  }
0x35: {  	s10 =	sld [smem:$0x3FB6];
	_ =	sdelay $0x3  }
0x36: {  	p1 =	seq.s32 s10, $0x1;
	s10 =	sld [smem:$0x3FB7];
	_ =	sdelay $0x3  }
0x37: {  	[smem:$0x3FB7] =	sst s10  }
0x38: {  	s10 =	sld [smem:$0x3FB8]  }
0x39: {  	_ = 	snop;
	(pc) =	sbr.ind lr, $3  }
0x3a: {  	_ = 	snop  }
0x3b: {  	_ = 	snop  }
0x3c: {  	p2 =	seq.s32 s10, $0x1;
	s10 =	sld [smem:$0x3FB7]  }
0x3d: {  	_ =	shalt  }
0x3e: {  	_ =	shalt  }
0x3f: {  	_ =	shalt  }
0x40: {  	_ =	shalt  }
0x41: {  	_ =	shalt  }
0x42: {  	_ =	shalt  }
0x43: {  	_ =	shalt  }
0x44: {  	_ =	shalt  }
0x45: {  	_ =	shalt  }
0x46: {  	_ =	shalt  }
0x47: {  	_ =	shalt  }
0x48: {  	_ =	shalt  }
0x49: {  	_ =	shalt  }
0x4a: {  	_ =	shalt  }
0x4b: {  	_ =	shalt  }
0x4c: {  	_ =	shalt  }
0x4d: {  	_ =	shalt  }
0x4e: {  	_ =	shalt  }
0x4f: {  	_ =	shalt  }
0x50: {  	_ =	shalt  }
0x51: {  	_ =	shalt  }
0x52: {  	_ =	shalt  }
0x53: {  	_ =	shalt  }
0x54: {  	_ =	shalt  }
0x55: {  	_ =	shalt  }
0x56: {  	_ =	shalt  }
0x57: {  	_ =	shalt  }
0x58: {  	_ =	shalt  }
0x59: {  	_ =	shalt  }
0x5a: {  	_ =	shalt  }
0x5b: {  	_ =	shalt  }
0x5c: {  	_ =	shalt  }
0x5d: {  	_ =	shalt  }
0x5e: {  	_ =	shalt  }
0x5f: {  	_ =	shalt  }
0x60: {  	_ =	shalt  }
0x61: {  	_ =	shalt  }
0x62: {  	_ =	shalt  }
0x63: {  	_ =	shalt  }
0x64: {  	_ =	shalt  }
0x65: {  	_ =	shalt  }
0x66: {  	_ =	shalt  }
0x67: {  	_ =	shalt  }
0x68: {  	_ =	shalt  }
0x69: {  	_ =	shalt  }
0x6a: {  	_ =	shalt  }
0x6b: {  	_ =	shalt  }
0x6c: {  	_ =	shalt  }
0x6d: {  	_ =	shalt  }
0x6e: {  	_ =	shalt  }
0x6f: {  	_ =	shalt  }
0x70: {  	_ =	shalt  }
0x71: {  	_ =	shalt  }
0x72: {  	_ =	shalt  }
0x73: {  	_ =	shalt  }
0x74: {  	_ =	shalt  }
0x75: {  	_ =	shalt  }
0x76: {  	_ =	shalt  }
0x77: {  	_ =	shalt  }
0x78: {  	_ =	shalt  }
0x79: {  	_ =	shalt  }
0x7a: {  	_ =	shalt  }
0x7b: {  	_ =	shalt  }
0x7c: {  	_ =	shalt  }
0x7d: {  	_ =	shalt  }
0x7e: {  	_ =	shalt  }
0x7f: {  	_ =	shalt  }
0x80: {  	_ =	shalt  }
0x81: {  	_ =	shalt  }
0x82: {  	_ =	shalt  }
0x83: {  	_ =	shalt  }
0x84: {  	_ =	shalt  }
0x85: {  	_ =	shalt  }
0x86: {  	_ =	shalt  }
0x87: {  	_ =	shalt  }
.Lfunc_end0:
.L_simem_size_0:
called_computation.2_lowered:
.L_overlay_start_0:
0x88: {  	s2 =	sld [smem:$0x3FD9]  }
0x89: {  	s3 =	sld [smem:$0x3FFE];
	_ =	sdelay $0x1  }
0x8a: {  	s1 =	srdreg.scid  }
0x8b: {  	s0 =	sand.u32 $0x1, s1  }
0x8c: {  	s17 =	sshll.u32 s0, $0xA;
	s2 =	sadd.s32 s3, s2  }
0x8d: {  	s2 =	sadd.s32 s2, s17  }
0x8e: {  	[smem:$0x3FC3] =	sst s2  }
0x8f: {  	_ = 	snop  }
0x90: {  	(tm) =	ssettm $0x1  }
0x91: {  	s18 =	sld [smem:$0x3FFB];
	_ =	sdelay $0x3  }
0x92: {  	_ =	strace s18  }
0x93: {  	s2 =	sld [smem:$0x3FFC];
	_ =	sdelay $0x3  }
0x94: {  	_ =	strace s2  }
0x95: {  	s2 =	sld [smem:$0x3FFD];
	_ =	sdelay $0x3  }
0x96: {  	_ =	strace s2  }
0x97: {  	_ =	strace $0x8FFFFFFF  }
0x98: {  	s19 =	sld [smem:$0x3FDB];
	_ =	sdelay $0x1  }
0x99: {  	s20 =	simm.s32 $_scs_section_size  }
0x9a: {  	s4 =	simm.s32 $_size__tile_overlayer_lowered;
	s5 =	simm.s32 $_tile_overlayer_lowered  }
0x9b: {  	s6 =	simm.s32 $0x1BFF;
	s21 =	sshll.u32 s5, $0x1;
	s3 =	sadd.s32 s20, s19  }
0x9c: {  	s22 =	simm.s32 $0x0;
	s4 =	sshll.u32 s4, $0x1;
	s5 =	sadd.s32 s21, s3  }
0x9d: {  	[timem:s22], [sflag:s6] =	dma.local [hbm:s5], s4  }
0x9e: {  	_ =	swait.ge [sflag:s6], s4  }
0x9f: {  	s4 =	ssub.s32 $0x0, s4;
	[sflag:s6] =	ssyncset.done $0x0  }
0xa0: {  	[sflag:s6] =	ssyncadd.s32 s4;
	_ =	sdelay $0x1  }
0xa1: {  	s23 =	simm.s32 $0x1B8B  }
0xa2: {  	_ =	swait.ge [sflag:s23], $0x1  }
0xa3: {  	[sflag:s23] =	ssyncset.done $0x0  }
0xa4: {  	[sflag:s23] =	ssyncadd.s32 $0xFFFFFFFF  }
0xa5: {  	s4 =	sld [smem:$0x0]  }
0xa6: {  	s5 =	sand.u32 $0xFFFFFFFE, s1  }
0xa7: {  	p0 =	sne.s32 s1, s5  }
0xa8: {  	s5 =	sshll.u32 @p0 s5, $0xE  }
0xa9: {  	s5 =	sadd.s32 @p0 $0x11B8D, s5;
	s6 =	sshll.u32 @p0 s4, $0x11  }
0xaa: {  	s5 =	sor.u32 @p0 s6, s5  }
0xab: {  	[sflag:s5] =	ssyncadd.remote.s32 @p0 $0x1;
	_ =	sdelay $0x1  }
0xac: {  	s5 =	simm.s32 @p0 $0x1B8D  }
0xad: {  	_ =	swait.eq @p0 [sflag:s5], $0x1  }
0xae: {  	[sflag:s5] =	ssyncadd.s32 @p0 $0xFFFFFFFF  }
0xaf: {  	s6 =	sshll.u32 @!p0 s1, $0xE  }
0xb0: {  	s6 =	sor.u32 @!p0 $0x4000, s6;
	s5 =	simm.s32 @!p0 $0x1B8D  }
0xb1: {  	s4 =	sshll.u32 @!p0 s4, $0x11;
	s6 =	sadd.s32 @!p0 $0x11B8D, s6;
	_ =	swait.eq @!p0 [sflag:s5], $0x1  }
0xb2: {  	s4 =	sor.u32 @!p0 s4, s6;
	[sflag:s5] =	ssyncadd.s32 @!p0 $0xFFFFFFFF  }
0xb3: {  	s25 =	simm.s32 $0x1B8E;
	s24 =	sld [smem:$0x3FFE];
	[sflag:s4] =	ssyncadd.remote.s32 @!p0 $0x1  }
0xb4: {  	s26 =	simm.s32 $execute0_lowered;
	[smem:$0x3FD2] =	sst s25  }
0xb5: {  	s5 =	sshll.u32 s26, $0x1;
	_ =	strace $0x80000049;
	[dreg:$0x1] =	wrdreg $0xFFFFFFFF  }
0xb6: {  	s28 =	simm.s32 $_size_execute0_lowered;
	s3 =	sadd.s32 s3, s5;
	[dreg:$0x0] =	wrdreg $0x0  }
0xb7: {  	s5 =	sshll.u32 s28, $0x1;
	[dreg:$0x2] =	wrdreg s3  }
0xb8: {  	[dreg:$0x3] =	wrdreg s5  }
0xb9: {  	[dreg:$0x4] =	wrdreg $0xC0  }
0xba: {  	_ =	task [dreg:s22], $0x5FFFF  }
0xbb: {  	[dreg:$0x1] =	wrdreg $0xFFFFFFFF  }
0xbc: {  	[dreg:$0x0] =	wrdreg $0x60  }
0xbd: {  	[dreg:$0x2] =	wrdreg s24  }
0xbe: {  	[dreg:$0x3] =	wrdreg $0xB  }
0xbf: {  	_ =	task.clear_ibuf [dreg:s22], $0x4FFFF;
	_ =	strace $0x90000049  }
0xc0: {  	s29 =	simm.s32 $0xB;
	_ =	strace $0x8000004B  }
0xc1: {  	_ =	swait.ge [sflag:s29], $0x1  }
0xc2: {  	[sflag:s29] =	ssyncadd.s32 $0xFFFFFFFF  }
0xc3: {  	_ =	strace $0x9000004B  }
0xc4: {  	_ =	sfence  }
0xc5: {  	s30 =	sld [smem:$0x0];
	_ =	sdelay $0x2  }
0xc6: {  	s31 =	sshll.u32 s1, $0xD;
	s1 =	sshrl.u32 s1, $0x2  }
0xc7: {  	s4 =	sand.u32 $0x4000, s31;
	s1 =	sadd.s32 s1, s30  }
0xc8: {  	s0 =	sor.u32 s4, s0;
	s1 =	sshll.u32 s1, $0x11  }
0xc9: {  	s0 =	sor.u32 s1, s0  }
0xca: {  	s0 =	sadd.s32 $0x8F2B, s0  }
0xcb: {  	[sflag:s0] =	ssyncadd.remote.s32 $0x1  }
0xcc: {  	_ =	sfence.sel $0xFFFF  }
0xcd: {  	[dreg:$0x0] =	wrdreg $0xFFFFFFFF;
	(pc) =	sbr.abs _section_cstart, $3  }
0xce: {  	[dreg:$0x1] =	wrdreg $0xFFFFFFFF  }
0xcf: {  	_ =	task.clear_ibuf [dreg:s22], $0x2FFFF;
	_ =	strace $0x9FFFFFFF  }
0xd0: {  	(tm) =	ssettm $0x7FFFFFFF  }
0xd1: {  	_ =	shalt  }
tec
execute0_lowered:
.L_overlay_start_1:
0x0: {  	(tag) =	ssettag $0x1  }
0x1: {  	s1 =	srdreg.scid  }
0x2: {  	s0 =	stileid.u32;
	s14 =	sand.u32 $0x1, s1  }
0x3: {  	s30 =	sshll.u32 s0, $0xA;
	s2 =	sshll.u32 s14, $0x9  }
0x4: {  	s16 =	sor.u32 s2, s30  }
0x5: {  	s15 =	rddreg [dreg:$0x0];
	s2 =	simm.s32 $0x0;
	s3 =	sshrl.u32 s16, $0x3  }
0x6: {  	s4 =	simm.s32 $0x3;
	[smem:$0x7FF] =	sst s2;
	s3 =	sadd.s32 s3, s15  }
0x7: {  	s1 =	rddreg [dreg:$0x1];
	_ =	strace $0x8000004A;
	s3 =	sadd.s32 $0x7E7C00, s3  }
0x8: {  	[tilespmem:s2], [sflag:$0x3] =	stream.linear.gather [hbm4b:s3+s2], $0x200, $0x38;
	[tilespmem:$0x10200] =	vst v63  }
0x9: {  	_ =	swait.ge [sflag:s4], $0x200  }
0xa: {  	s6 =	simm.s32 $0x80;
	[sflag:s4] =	ssyncset.done $0x0  }
0xb: {  	s7 =	simm.s32 $0x200;
	s5 =	sadd.s32 $0x2400, s15;
	[sflag:s4] =	ssyncadd.s32 $0xFFFFFE00  }
0xc: {  	[tilespmem:s7], [sflag:$0x1] =	stream.indirect.gather [hbm4b:s5+s6], $0x80, s2, s6, $0xb8;
	[tilespmem:$0x10200] =	vst v63  }
0xd: {  	s8 =	simm.s32 $0x4200  }
0xe: {  	[tilespmem:s8], [sflag:$0x1] =	stream.indirect.gather [hbm4b:s5+s6], $0x80, s6, s6, $0xb8;
	[tilespmem:$0x10200] =	vst v63  }
0xf: {  	s9 =	simm.s32 $0x100;
	s10 =	simm.s32 $0x8200  }
0x10: {  	[tilespmem:s10], [sflag:$0x1] =	stream.indirect.gather [hbm4b:s5+s6], $0x80, s9, s6, $0xb8;
	[tilespmem:$0x10200] =	vst v63  }
0x11: {  	s11 =	simm.s32 $0x180;
	s12 =	simm.s32 $0xC200;
	s13 =	simm.s32 $0x1  }
0x12: {  	[tilespmem:s12], [sflag:$0x1] =	stream.indirect.gather [hbm4b:s5+s6], $0x80, s11, s6, $0xb8;
	[tilespmem:$0x10200] =	vst v63  }
0x13: {  	_ =	swait.ge [sflag:s13], $0x4000  }
0x14: {  	[sflag:s13] =	ssyncset.done $0x0  }
0x15: {  	[sflag:s13] =	ssyncadd.s32 $0xFFFFC000  }
0x16: {  	_ =	swait.ge [sflag:s13], $0x4000  }
0x17: {  	[sflag:s13] =	ssyncset.done $0x0  }
0x18: {  	s14 =	ssub.s32 $0x2, s14;
	[sflag:s13] =	ssyncadd.s32 $0xFFFFC000  }
0x19: {  	s31 =	sshrl.u32 s14, $0x1;
	s16 =	sshll.u32 s16, $0x4;
	_ =	swait.ge [sflag:s13], $0x4000  }
0x1a: {  	s15 =	sadd.s32 s16, s15;
	s16 =	ssub.s32 s14, s31;
	[sflag:s13] =	ssyncset.done $0x0  }
0x1b: {  	s16 =	smax.u32 s16, $0x1;
	[sflag:s13] =	ssyncadd.s32 $0xFFFFC000  }
0x1c: {  	p0 =	sne.s32 s16, $0x1;
	_ =	swait.ge [sflag:s13], $0x4000  }
.Ltmp0:
0x1d: {  	[sflag:s13] =	ssyncset.done $0x0;
	(pc) =	sbr.rel @!p0 .LBB2_2-.Ltmp0, $4  }
0x1e: {  	s14 =	sadd.s32 $0x7E8400, s15;
	s15 =	simm.s32 $0x2;
	[sflag:s13] =	ssyncadd.s32 $0xFFFFC000  }
0x1f: {  	[hbm4b:s14+s2] =	stream.linear.scatter [tilespmem:s7], [sflag:$0x2], $0x10000, $0x38;
	[tilespmem:$0x10200] =	vst v63  }
0x20: {  	_ =	swait.ge [sflag:s15], $0x10000  }
0x21: {  	s16 =	sadd.s32 $0xFFFFFFFF, s16;
	[sflag:s15] =	ssyncset.done $0x0  }
.LBB2_1:
0x22: {  	p0 =	sne.s32 s16, $0x1;
	s16 =	sadd.s32 $0xFFFFFFFF, s16;
	[sflag:s15] =	ssyncadd.s32 $0xFFFF0000  }
0x23: {  	[tilespmem:s2], [sflag:$0x3] =	stream.linear.gather [hbm4b:s3+s2], $0x200, $0x38;
	[tilespmem:$0x10200] =	vst v63  }
0x24: {  	_ =	swait.ge [sflag:s4], $0x200  }
0x25: {  	[sflag:s4] =	ssyncset.done $0x0  }
0x26: {  	[sflag:s4] =	ssyncadd.s32 $0xFFFFFE00  }
0x27: {  	[tilespmem:s7], [sflag:$0x1] =	stream.indirect.gather [hbm4b:s5+s6], $0x80, s2, s6, $0xb8;
	[tilespmem:$0x10200] =	vst v63  }
0x28: {  	_ = 	snop  }
0x29: {  	[tilespmem:s8], [sflag:$0x1] =	stream.indirect.gather [hbm4b:s5+s6], $0x80, s6, s6, $0xb8;
	[tilespmem:$0x10200] =	vst v63  }
0x2a: {  	_ = 	snop  }
0x2b: {  	[tilespmem:s10], [sflag:$0x1] =	stream.indirect.gather [hbm4b:s5+s6], $0x80, s9, s6, $0xb8;
	[tilespmem:$0x10200] =	vst v63  }
0x2c: {  	_ = 	snop  }
0x2d: {  	[tilespmem:s12], [sflag:$0x1] =	stream.indirect.gather [hbm4b:s5+s6], $0x80, s11, s6, $0xb8;
	[tilespmem:$0x10200] =	vst v63  }
0x2e: {  	_ =	swait.ge [sflag:s13], $0x4000  }
0x2f: {  	[sflag:s13] =	ssyncset.done $0x0  }
0x30: {  	[sflag:s13] =	ssyncadd.s32 $0xFFFFC000  }
0x31: {  	_ =	swait.ge [sflag:s13], $0x4000  }
0x32: {  	[sflag:s13] =	ssyncset.done $0x0  }
0x33: {  	[sflag:s13] =	ssyncadd.s32 $0xFFFFC000  }
0x34: {  	_ =	swait.ge [sflag:s13], $0x4000  }
0x35: {  	[sflag:s13] =	ssyncset.done $0x0  }
0x36: {  	[sflag:s13] =	ssyncadd.s32 $0xFFFFC000  }
0x37: {  	_ =	swait.ge [sflag:s13], $0x4000  }
.Ltmp1:
0x38: {  	[sflag:s13] =	ssyncset.done $0x0;
	(pc) =	sbr.rel @p0 .LBB2_1-.Ltmp1, $4  }
0x39: {  	[sflag:s13] =	ssyncadd.s32 $0xFFFFC000  }
0x3a: {  	[hbm4b:s14+s2] =	stream.linear.scatter [tilespmem:s7], [sflag:$0x2], $0x10000, $0x38;
	[tilespmem:$0x10200] =	vst v63  }
0x3b: {  	_ =	swait.ge [sflag:s15], $0x10000  }
0x3c: {  	[sflag:s15] =	ssyncset.done $0x0  }
.LBB2_2:
0x3d: {  	[sflag:s15] =	ssyncadd.s32 $0xFFFF0000  }
0x3e: {  	_ =	sfence.sel $0x180000  }
0x3f: {  	[bflag:$0x0] =	sbarrier.arrive $0xFFFF  }
0x40: {  	p0 =	sne.s32 s0, $0x0;
	_ =	strace $0x9000004A  }
0x41: {  	s0 =	sadd.s32 @!p0 $0x100000, s1;
	[bflag:$0x2] =	sbarrier.arrive $0xFFFF  }
0x42: {  	[sflag:s0] =	ssyncadd.tile.s32 @!p0 $0x1;
	_ =	shalt  }
.Lfunc_end2:
_tile_overlayer_lowered:
.L_overlay_start_2:
0x43: {  	(tag) =	ssettag $0x2  }
0x44: {  	s0 =	rddreg [dreg:$0x0];
	s2 =	stileid.u32  }
0x45: {  	s1 =	rddreg [dreg:$0x1];
	p0 =	sne.s32 s2, $0x0  }
0x46: {  	s3 =	rddreg [dreg:$0x2];
	[bflag:$0x3] =	sbarrier.arrive $0xFFFF;
	s2 =	simm.s32 @!p0 $0x1C03  }
0x47: {  	[timem:s3], [sflag:s2] =	dma.local @!p0 [hbm:s0], s1  }
0x48: {  	s0 =	simm.s32 @!p0 $0x3  }
0x49: {  	_ =	swait.ge @!p0 [sflag:s0], s1  }
0x4a: {  	s1 =	ssub.s32 @!p0 $0x0, s1;
	[sflag:s0] =	ssyncset.done @!p0 $0x0  }
0x4b: {  	[sflag:s0] =	ssyncadd.s32 @!p0 s1  }
0x4c: {  	[bflag:$0x3] =	sbarrier.arrive $0xFFFF  }
0x4d: {  	_ =	shalt  }

// kernel: kernel.8.cloned.1.call-start
scs
__scs_entry_jumppad:
0x0: {  	(pc) =	sbr.rel $0x88, $3  }
0x1: {  	(tag) =	ssettag $0x0;
	lr =	simm.s32 $0x1  }
0x2: {  	[smem:$0x3F9C] =	sst lr;
	_ =	strace $0xD0000000  }
0x3: {  	_ = 	snop  }
0x4: {  	_ = 	snop  }
0x5: {  	_ = 	snop  }
0x6: {  	_ = 	snop  }
0x7: {  	_ = 	snop  }
__scs_overlays_trampoline_lowered:
0x8: {  	[smem:$0x3FAB] =	sst s0  }
0x9: {  	[smem:$0x3FAC] =	sst s1  }
0xa: {  	[smem:$0x3FAD] =	sst s2  }
0xb: {  	[smem:$0x3FAE] =	sst s3  }
0xc: {  	[smem:$0x3FAF] =	sst s4  }
0xd: {  	[smem:$0x3FB0] =	sst s5  }
0xe: {  	[smem:$0x3FB1] =	sst s6  }
0xf: {  	[smem:$0x3FB2] =	sst s7  }
0x10: {  	[smem:$0x3FB3] =	sst s8  }
0x11: {  	[smem:$0x3FB4] =	sst s9;
	s0 =	simm.s32 @!p0 $0x0  }
0x12: {  	s1 =	sld [smem:$0x3F9A];
	s0 =	simm.s32 @p0 $0x1  }
0x13: {  	[smem:$0x3FB5] =	sst s0;
	s0 =	simm.s32 @!p1 $0x0  }
0x14: {  	s2 =	sld [smem:$0x3F99];
	s0 =	simm.s32 @p1 $0x1  }
0x15: {  	[smem:$0x3FB6] =	sst s0;
	s0 =	simm.s32 @!p2 $0x0  }
0x16: {  	s3 =	sld [smem:$0x3FDB];
	s0 =	simm.s32 @p2 $0x1  }
0x17: {  	s4 =	simm.s32 $0x1BF5;
	[smem:$0x3FB8] =	sst s0  }
0x18: {  	s0 =	sld [smem:$0x3F9B];
	_ =	swait.ge [sflag:s4], $0x0  }
0x19: {  	s7 =	sld [smem:$0x3F9C]  }
0x1a: {  	s8 =	sadd.s32 $0xFFFFE003, lr  }
0x1b: {  	s9 =	sadd.s32 $0xFFFFFEF7, lr;
	s5 =	simm.s32 $0xFFFFFFFF;
	p2 =	slt.u32 s8, $0xFFFFF086  }
0x1c: {  	p1 =	slt.u32 s9, $0xF7A;
	s5 =	simm.s32 @!p2 $0x0  }
0x1d: {  	s5 =	simm.s32 @p1 $0x1;
	p0 =	seq.s32 s7, s2  }
0x1e: {  	s7 =	smul.u32 @!p0 $0xF7A, s2;
	p2 =	seq.s32 @!p0 s5, $0x0  }
0x1f: {  	s9 =	smul.u32 $0xF7A, s1;
	s8 =	simm.s32 @!p0 $0x1BF5;
	p2 =	por !p2, p0  }
0x20: {  	[sflag:s8] =	ssyncset.s32 @!p0 $0xFFFFF086;
	s6 =	sadd.s32 @!p0 s3, s7;
	s7 =	simm.s32 @!p0 $0x108  }
0x21: {  	s3 =	sadd.s32 s3, s9;
	s6 =	sadd.s32 @!p0 $0x88, s6;
	s7 =	simm.s32 @p2 $0x1082  }
0x22: {  	[simem:s7], [sflag:s8] =	dma.local @!p0 [hbm:s6], $0xF7A  }
0x23: {  	s9 =	sor.u32 $0xD0000000, s2;
	s6 =	simm.s32 $0x108;
	_ =	swait.ge @!p0 [sflag:s8], $0x0  }
0x24: {  	s3 =	sadd.s32 $0x88, s3;
	s6 =	simm.s32 @!p1 $0x1082;
	[sflag:s4] =	ssyncset.s32 $0xFFFFF086  }
0x25: {  	[simem:s6], [sflag:s4] =	dma.local [hbm:s3], $0xF7A  }
0x26: {  	[smem:$0x3F9C] =	sst s1;
	(tag) =	ssettag s2;
	_ =	strace s9  }
0x27: {  	s1 =	sld [smem:$0x3FAC]  }
0x28: {  	s2 =	sld [smem:$0x3FAD]  }
0x29: {  	s4 =	sld [smem:$0x3FAF]  }
0x2a: {  	p0 =	seq.s32 s5, $0x0;
	s5 =	sld [smem:$0x3FB0]  }
0x2b: {  	s6 =	sld [smem:$0x3FB1]  }
0x2c: {  	s7 =	sld [smem:$0x3FB2]  }
0x2d: {  	s3 =	simm.s32 $0x108;
	s8 =	sld [smem:$0x3FB3]  }
0x2e: {  	s3 =	simm.s32 @!p0 $0x1082;
	s9 =	sld [smem:$0x3FB4]  }
0x2f: {  	lr =	sadd.s32 s0, s3;
	s0 =	sld [smem:$0x3FAB]  }
0x30: {  	s3 =	sld [smem:$0x3FAE]  }
0x31: {  	[smem:$0x3FB7] =	sst s10  }
0x32: {  	s10 =	sld [smem:$0x3FB5];
	_ =	sdelay $0x3  }
0x33: {  	p0 =	seq.s32 s10, $0x1;
	s10 =	sld [smem:$0x3FB7];
	_ =	sdelay $0x3  }
0x34: {  	[smem:$0x3FB7] =	sst s10  }
0x35: {  	s10 =	sld [smem:$0x3FB6];
	_ =	sdelay $0x3  }
0x36: {  	p1 =	seq.s32 s10, $0x1;
	s10 =	sld [smem:$0x3FB7];
	_ =	sdelay $0x3  }
0x37: {  	[smem:$0x3FB7] =	sst s10  }
0x38: {  	s10 =	sld [smem:$0x3FB8]  }
0x39: {  	_ = 	snop;
	(pc) =	sbr.ind lr, $3  }
0x3a: {  	_ = 	snop  }
0x3b: {  	_ = 	snop  }
0x3c: {  	p2 =	seq.s32 s10, $0x1;
	s10 =	sld [smem:$0x3FB7]  }
0x3d: {  	_ =	shalt  }
0x3e: {  	_ =	shalt  }
0x3f: {  	_ =	shalt  }
0x40: {  	_ =	shalt  }
0x41: {  	_ =	shalt  }
0x42: {  	_ =	shalt  }
0x43: {  	_ =	shalt  }
0x44: {  	_ =	shalt  }
0x45: {  	_ =	shalt  }
0x46: {  	_ =	shalt  }
0x47: {  	_ =	shalt  }
0x48: {  	_ =	shalt  }
0x49: {  	_ =	shalt  }
0x4a: {  	_ =	shalt  }
0x4b: {  	_ =	shalt  }
0x4c: {  	_ =	shalt  }
0x4d: {  	_ =	shalt  }
0x4e: {  	_ =	shalt  }
0x4f: {  	_ =	shalt  }
0x50: {  	_ =	shalt  }
0x51: {  	_ =	shalt  }
0x52: {  	_ =	shalt  }
0x53: {  	_ =	shalt  }
0x54: {  	_ =	shalt  }
0x55: {  	_ =	shalt  }
0x56: {  	_ =	shalt  }
0x57: {  	_ =	shalt  }
0x58: {  	_ =	shalt  }
0x59: {  	_ =	shalt  }
0x5a: {  	_ =	shalt  }
0x5b: {  	_ =	shalt  }
0x5c: {  	_ =	shalt  }
0x5d: {  	_ =	shalt  }
0x5e: {  	_ =	shalt  }
0x5f: {  	_ =	shalt  }
0x60: {  	_ =	shalt  }
0x61: {  	_ =	shalt  }
0x62: {  	_ =	shalt  }
0x63: {  	_ =	shalt  }
0x64: {  	_ =	shalt  }
0x65: {  	_ =	shalt  }
0x66: {  	_ =	shalt  }
0x67: {  	_ =	shalt  }
0x68: {  	_ =	shalt  }
0x69: {  	_ =	shalt  }
0x6a: {  	_ =	shalt  }
0x6b: {  	_ =	shalt  }
0x6c: {  	_ =	shalt  }
0x6d: {  	_ =	shalt  }
0x6e: {  	_ =	shalt  }
0x6f: {  	_ =	shalt  }
0x70: {  	_ =	shalt  }
0x71: {  	_ =	shalt  }
0x72: {  	_ =	shalt  }
0x73: {  	_ =	shalt  }
0x74: {  	_ =	shalt  }
0x75: {  	_ =	shalt  }
0x76: {  	_ =	shalt  }
0x77: {  	_ =	shalt  }
0x78: {  	_ =	shalt  }
0x79: {  	_ =	shalt  }
0x7a: {  	_ =	shalt  }
0x7b: {  	_ =	shalt  }
0x7c: {  	_ =	shalt  }
0x7d: {  	_ =	shalt  }
0x7e: {  	_ =	shalt  }
0x7f: {  	_ =	shalt  }
0x80: {  	_ =	shalt  }
0x81: {  	_ =	shalt  }
0x82: {  	_ =	shalt  }
0x83: {  	_ =	shalt  }
0x84: {  	_ =	shalt  }
0x85: {  	_ =	shalt  }
0x86: {  	_ =	shalt  }
0x87: {  	_ =	shalt  }
.Lfunc_end0:
.L_simem_size_0:
called_computation_lowered:
.L_overlay_start_0:
0x88: {  	s2 =	sld [smem:$0x3FD9]  }
0x89: {  	s3 =	sld [smem:$0x3FFE];
	_ =	sdelay $0x1  }
0x8a: {  	s1 =	srdreg.scid  }
0x8b: {  	s0 =	sand.u32 $0x1, s1  }
0x8c: {  	s17 =	sshll.u32 s0, $0xA;
	s2 =	sadd.s32 s3, s2  }
0x8d: {  	s2 =	sadd.s32 s2, s17  }
0x8e: {  	[smem:$0x3FC3] =	sst s2  }
0x8f: {  	_ = 	snop  }
0x90: {  	(tm) =	ssettm $0x1  }
0x91: {  	s18 =	sld [smem:$0x3FFB];
	_ =	sdelay $0x3  }
0x92: {  	_ =	strace s18  }
0x93: {  	s2 =	sld [smem:$0x3FFC];
	_ =	sdelay $0x3  }
0x94: {  	_ =	strace s2  }
0x95: {  	s2 =	sld [smem:$0x3FFD];
	_ =	sdelay $0x3  }
0x96: {  	_ =	strace s2  }
0x97: {  	_ =	strace $0x8FFFFFFF  }
0x98: {  	s19 =	sld [smem:$0x3FDB];
	_ =	sdelay $0x1  }
0x99: {  	s20 =	simm.s32 $_scs_section_size  }
0x9a: {  	s4 =	simm.s32 $_size__tile_overlayer_lowered;
	s5 =	simm.s32 $_tile_overlayer_lowered  }
0x9b: {  	s6 =	simm.s32 $0x1BFF;
	s21 =	sshll.u32 s5, $0x1;
	s3 =	sadd.s32 s20, s19  }
0x9c: {  	s22 =	simm.s32 $0x0;
	s4 =	sshll.u32 s4, $0x1;
	s5 =	sadd.s32 s21, s3  }
0x9d: {  	[timem:s22], [sflag:s6] =	dma.local [hbm:s5], s4  }
0x9e: {  	_ =	swait.ge [sflag:s6], s4  }
0x9f: {  	s4 =	ssub.s32 $0x0, s4;
	[sflag:s6] =	ssyncset.done $0x0  }
0xa0: {  	[sflag:s6] =	ssyncadd.s32 s4;
	_ =	sdelay $0x1  }
0xa1: {  	s23 =	simm.s32 $0x1B8B  }
0xa2: {  	_ =	swait.ge [sflag:s23], $0x1  }
0xa3: {  	[sflag:s23] =	ssyncset.done $0x0  }
0xa4: {  	[sflag:s23] =	ssyncadd.s32 $0xFFFFFFFF  }
0xa5: {  	s4 =	sld [smem:$0x0]  }
0xa6: {  	s5 =	sand.u32 $0xFFFFFFFE, s1  }
0xa7: {  	p0 =	sne.s32 s1, s5  }
0xa8: {  	s5 =	sshll.u32 @p0 s5, $0xE  }
0xa9: {  	s5 =	sadd.s32 @p0 $0x11B8D, s5;
	s6 =	sshll.u32 @p0 s4, $0x11  }
0xaa: {  	s5 =	sor.u32 @p0 s6, s5  }
0xab: {  	[sflag:s5] =	ssyncadd.remote.s32 @p0 $0x1;
	_ =	sdelay $0x1  }
0xac: {  	s5 =	simm.s32 @p0 $0x1B8D  }
0xad: {  	_ =	swait.eq @p0 [sflag:s5], $0x1  }
0xae: {  	[sflag:s5] =	ssyncadd.s32 @p0 $0xFFFFFFFF  }
0xaf: {  	s6 =	sshll.u32 @!p0 s1, $0xE  }
0xb0: {  	s6 =	sor.u32 @!p0 $0x4000, s6;
	s5 =	simm.s32 @!p0 $0x1B8D  }
0xb1: {  	s4 =	sshll.u32 @!p0 s4, $0x11;
	s6 =	sadd.s32 @!p0 $0x11B8D, s6;
	_ =	swait.eq @!p0 [sflag:s5], $0x1  }
0xb2: {  	s4 =	sor.u32 @!p0 s4, s6;
	[sflag:s5] =	ssyncadd.s32 @!p0 $0xFFFFFFFF  }
0xb3: {  	s25 =	simm.s32 $0x1B8E;
	s24 =	sld [smem:$0x3FFE];
	[sflag:s4] =	ssyncadd.remote.s32 @!p0 $0x1  }
0xb4: {  	s26 =	simm.s32 $execute0_lowered;
	[smem:$0x3FD2] =	sst s25  }
0xb5: {  	s5 =	sshll.u32 s26, $0x1;
	_ =	strace $0x8000004C;
	[dreg:$0x1] =	wrdreg $0xFFFFFFFF  }
0xb6: {  	s28 =	simm.s32 $_size_execute0_lowered;
	s3 =	sadd.s32 s3, s5;
	[dreg:$0x0] =	wrdreg $0x0  }
0xb7: {  	s5 =	sshll.u32 s28, $0x1;
	[dreg:$0x2] =	wrdreg s3  }
0xb8: {  	[dreg:$0x3] =	wrdreg s5  }
0xb9: {  	[dreg:$0x4] =	wrdreg $0xC0  }
0xba: {  	_ =	task [dreg:s22], $0x5FFFF  }
0xbb: {  	[dreg:$0x1] =	wrdreg $0xFFFFFFFF  }
0xbc: {  	[dreg:$0x0] =	wrdreg $0x60  }
0xbd: {  	[dreg:$0x2] =	wrdreg s24  }
0xbe: {  	[dreg:$0x3] =	wrdreg $0x9  }
0xbf: {  	_ =	task.clear_ibuf [dreg:s22], $0x4FFFF;
	_ =	strace $0x9000004C  }
0xc0: {  	s29 =	simm.s32 $0x9;
	_ =	strace $0x8000004E  }
0xc1: {  	_ =	swait.ge [sflag:s29], $0x1  }
0xc2: {  	[sflag:s29] =	ssyncadd.s32 $0xFFFFFFFF  }
0xc3: {  	_ =	strace $0x9000004E  }
0xc4: {  	_ =	sfence  }
0xc5: {  	s30 =	sld [smem:$0x0];
	_ =	sdelay $0x2  }
0xc6: {  	s31 =	sshll.u32 s1, $0xD;
	s1 =	sshrl.u32 s1, $0x2  }
0xc7: {  	s4 =	sand.u32 $0x4000, s31;
	s1 =	sadd.s32 s1, s30  }
0xc8: {  	s0 =	sor.u32 s4, s0;
	s1 =	sshll.u32 s1, $0x11  }
0xc9: {  	s0 =	sor.u32 s1, s0  }
0xca: {  	s0 =	sadd.s32 $0x8F2B, s0  }
0xcb: {  	[sflag:s0] =	ssyncadd.remote.s32 $0x1  }
0xcc: {  	_ =	sfence.sel $0xFFFF  }
0xcd: {  	[dreg:$0x0] =	wrdreg $0xFFFFFFFF;
	(pc) =	sbr.abs _section_cstart, $3  }
0xce: {  	[dreg:$0x1] =	wrdreg $0xFFFFFFFF  }
0xcf: {  	_ =	task.clear_ibuf [dreg:s22], $0x2FFFF;
	_ =	strace $0x9FFFFFFF  }
0xd0: {  	(tm) =	ssettm $0x7FFFFFFF  }
0xd1: {  	_ =	shalt  }
tec
execute0_lowered:
.L_overlay_start_1:
0x0: {  	(tag) =	ssettag $0x1  }
0x1: {  	s1 =	srdreg.scid  }
0x2: {  	s0 =	stileid.u32;
	s14 =	sand.u32 $0x1, s1  }
0x3: {  	s30 =	sshll.u32 s0, $0xA;
	s2 =	sshll.u32 s14, $0x9  }
0x4: {  	s16 =	sor.u32 s2, s30  }
0x5: {  	s15 =	rddreg [dreg:$0x0];
	s2 =	simm.s32 $0x0;
	s3 =	sshrl.u32 s16, $0x3  }
0x6: {  	s4 =	simm.s32 $0x3;
	[smem:$0x7FF] =	sst s2;
	s3 =	sadd.s32 s3, s15  }
0x7: {  	s1 =	rddreg [dreg:$0x1];
	_ =	strace $0x8000004D;
	s3 =	sadd.s32 $0xFCCC00, s3  }
0x8: {  	[tilespmem:s2], [sflag:$0x3] =	stream.linear.gather [hbm4b:s3+s2], $0x200, $0x38;
	[tilespmem:$0x10200] =	vst v63  }
0x9: {  	_ =	swait.ge [sflag:s4], $0x200  }
0xa: {  	s6 =	simm.s32 $0x80;
	[sflag:s4] =	ssyncset.done $0x0  }
0xb: {  	s7 =	simm.s32 $0x200;
	s5 =	sadd.s32 $0x828400, s15;
	[sflag:s4] =	ssyncadd.s32 $0xFFFFFE00  }
0xc: {  	[tilespmem:s7], [sflag:$0x1] =	stream.indirect.gather [hbm4b:s5+s6], $0x80, s2, s6, $0xb8;
	[tilespmem:$0x10200] =	vst v63  }
0xd: {  	s8 =	simm.s32 $0x4200  }
0xe: {  	[tilespmem:s8], [sflag:$0x1] =	stream.indirect.gather [hbm4b:s5+s6], $0x80, s6, s6, $0xb8;
	[tilespmem:$0x10200] =	vst v63  }
0xf: {  	s9 =	simm.s32 $0x100;
	s10 =	simm.s32 $0x8200  }
0x10: {  	[tilespmem:s10], [sflag:$0x1] =	stream.indirect.gather [hbm4b:s5+s6], $0x80, s9, s6, $0xb8;
	[tilespmem:$0x10200] =	vst v63  }
0x11: {  	s11 =	simm.s32 $0x180;
	s12 =	simm.s32 $0xC200;
	s13 =	simm.s32 $0x1  }
0x12: {  	[tilespmem:s12], [sflag:$0x1] =	stream.indirect.gather [hbm4b:s5+s6], $0x80, s11, s6, $0xb8;
	[tilespmem:$0x10200] =	vst v63  }
0x13: {  	_ =	swait.ge [sflag:s13], $0x4000  }
0x14: {  	[sflag:s13] =	ssyncset.done $0x0  }
0x15: {  	[sflag:s13] =	ssyncadd.s32 $0xFFFFC000  }
0x16: {  	_ =	swait.ge [sflag:s13], $0x4000  }
0x17: {  	[sflag:s13] =	ssyncset.done $0x0  }
0x18: {  	s14 =	ssub.s32 $0x2, s14;
	[sflag:s13] =	ssyncadd.s32 $0xFFFFC000  }
0x19: {  	s31 =	sshrl.u32 s14, $0x1;
	s16 =	sshll.u32 s16, $0x4;
	_ =	swait.ge [sflag:s13], $0x4000  }
0x1a: {  	s15 =	sadd.s32 s16, s15;
	s16 =	ssub.s32 s14, s31;
	[sflag:s13] =	ssyncset.done $0x0  }
0x1b: {  	s16 =	smax.u32 s16, $0x1;
	[sflag:s13] =	ssyncadd.s32 $0xFFFFC000  }
0x1c: {  	p0 =	sne.s32 s16, $0x1;
	_ =	swait.ge [sflag:s13], $0x4000  }
.Ltmp0:
0x1d: {  	[sflag:s13] =	ssyncset.done $0x0;
	(pc) =	sbr.rel @!p0 .LBB2_2-.Ltmp0, $4  }
0x1e: {  	s14 =	sadd.s32 $0xFCD400, s15;
	s15 =	simm.s32 $0x2;
	[sflag:s13] =	ssyncadd.s32 $0xFFFFC000  }
0x1f: {  	[hbm4b:s14+s2] =	stream.linear.scatter [tilespmem:s7], [sflag:$0x2], $0x10000, $0x38;
	[tilespmem:$0x10200] =	vst v63  }
0x20: {  	_ =	swait.ge [sflag:s15], $0x10000  }
0x21: {  	s16 =	sadd.s32 $0xFFFFFFFF, s16;
	[sflag:s15] =	ssyncset.done $0x0  }
.LBB2_1:
0x22: {  	p0 =	sne.s32 s16, $0x1;
	s16 =	sadd.s32 $0xFFFFFFFF, s16;
	[sflag:s15] =	ssyncadd.s32 $0xFFFF0000  }
0x23: {  	[tilespmem:s2], [sflag:$0x3] =	stream.linear.gather [hbm4b:s3+s2], $0x200, $0x38;
	[tilespmem:$0x10200] =	vst v63  }
0x24: {  	_ =	swait.ge [sflag:s4], $0x200  }
0x25: {  	[sflag:s4] =	ssyncset.done $0x0  }
0x26: {  	[sflag:s4] =	ssyncadd.s32 $0xFFFFFE00  }
0x27: {  	[tilespmem:s7], [sflag:$0x1] =	stream.indirect.gather [hbm4b:s5+s6], $0x80, s2, s6, $0xb8;
	[tilespmem:$0x10200] =	vst v63  }
0x28: {  	_ = 	snop  }
0x29: {  	[tilespmem:s8], [sflag:$0x1] =	stream.indirect.gather [hbm4b:s5+s6], $0x80, s6, s6, $0xb8;
	[tilespmem:$0x10200] =	vst v63  }
0x2a: {  	_ = 	snop  }
0x2b: {  	[tilespmem:s10], [sflag:$0x1] =	stream.indirect.gather [hbm4b:s5+s6], $0x80, s9, s6, $0xb8;
	[tilespmem:$0x10200] =	vst v63  }
0x2c: {  	_ = 	snop  }
0x2d: {  	[tilespmem:s12], [sflag:$0x1] =	stream.indirect.gather [hbm4b:s5+s6], $0x80, s11, s6, $0xb8;
	[tilespmem:$0x10200] =	vst v63  }
0x2e: {  	_ =	swait.ge [sflag:s13], $0x4000  }
0x2f: {  	[sflag:s13] =	ssyncset.done $0x0  }
0x30: {  	[sflag:s13] =	ssyncadd.s32 $0xFFFFC000  }
0x31: {  	_ =	swait.ge [sflag:s13], $0x4000  }
0x32: {  	[sflag:s13] =	ssyncset.done $0x0  }
0x33: {  	[sflag:s13] =	ssyncadd.s32 $0xFFFFC000  }
0x34: {  	_ =	swait.ge [sflag:s13], $0x4000  }
0x35: {  	[sflag:s13] =	ssyncset.done $0x0  }
0x36: {  	[sflag:s13] =	ssyncadd.s32 $0xFFFFC000  }
0x37: {  	_ =	swait.ge [sflag:s13], $0x4000  }
.Ltmp1:
0x38: {  	[sflag:s13] =	ssyncset.done $0x0;
	(pc) =	sbr.rel @p0 .LBB2_1-.Ltmp1, $4  }
0x39: {  	[sflag:s13] =	ssyncadd.s32 $0xFFFFC000  }
0x3a: {  	[hbm4b:s14+s2] =	stream.linear.scatter [tilespmem:s7], [sflag:$0x2], $0x10000, $0x38;
	[tilespmem:$0x10200] =	vst v63  }
0x3b: {  	_ =	swait.ge [sflag:s15], $0x10000  }
0x3c: {  	[sflag:s15] =	ssyncset.done $0x0  }
.LBB2_2:
0x3d: {  	[sflag:s15] =	ssyncadd.s32 $0xFFFF0000  }
0x3e: {  	_ =	sfence.sel $0x180000  }
0x3f: {  	[bflag:$0x0] =	sbarrier.arrive $0xFFFF  }
0x40: {  	p0 =	sne.s32 s0, $0x0;
	_ =	strace $0x9000004D  }
0x41: {  	s0 =	sadd.s32 @!p0 $0x100000, s1;
	[bflag:$0x2] =	sbarrier.arrive $0xFFFF  }
0x42: {  	[sflag:s0] =	ssyncadd.tile.s32 @!p0 $0x1;
	_ =	shalt  }
.Lfunc_end2:
_tile_overlayer_lowered:
.L_overlay_start_2:
0x43: {  	(tag) =	ssettag $0x2  }
0x44: {  	s0 =	rddreg [dreg:$0x0];
	s2 =	stileid.u32  }
0x45: {  	s1 =	rddreg [dreg:$0x1];
	p0 =	sne.s32 s2, $0x0  }
0x46: {  	s3 =	rddreg [dreg:$0x2];
	[bflag:$0x3] =	sbarrier.arrive $0xFFFF;
	s2 =	simm.s32 @!p0 $0x1C03  }
0x47: {  	[timem:s3], [sflag:s2] =	dma.local @!p0 [hbm:s0], s1  }
0x48: {  	s0 =	simm.s32 @!p0 $0x3  }
0x49: {  	_ =	swait.ge @!p0 [sflag:s0], s1  }
0x4a: {  	s1 =	ssub.s32 @!p0 $0x0, s1;
	[sflag:s0] =	ssyncset.done @!p0 $0x0  }
0x4b: {  	[sflag:s0] =	ssyncadd.s32 @!p0 s1  }
0x4c: {  	[bflag:$0x3] =	sbarrier.arrive $0xFFFF  }
0x4d: {  	_ =	shalt  }

</sc_bundles>
